<compile_context>
chip_gen: v7x
topology: tpu7x:2x2x1
jax: 0.10.2.dev20260603
libtpu: 0.0.44.dev20260713+nightly
codegen_flags: <defaults>
</compile_context>

<pallas_src>
import jax
import jax.numpy as jnp
from jax import lax
from jax.experimental import pallas as pl
from jax.experimental.pallas import tpu as pltpu
from jax.experimental.pallas import tpu_sc as plsc

B, D = 16384, 128
NC, NS, L = 2, 16, 16
NW = NC * NS

SC_ROWS = 4096
TC_ROWS = B - SC_ROWS
RPW = SC_ROWS // NW
CHUNK = 64
NCHUNKS = RPW // CHUNK
NGRP = CHUNK // L

R = 3072
G = TC_ROWS // R

_SPLAT_DNUMS = lax.GatherDimensionNumbers(
    offset_dims=(), collapsed_slice_dims=(0,), start_index_map=(0,))


def _sc_body(mu_h, s2_h, mup_h, s2p_h, lab_h, out_h,
             mu_a, s2_a, mup_a, s2p_a, mu_b, s2_b, mup_b, s2p_b,
             lab_v, out_v, sem_a, sem_b):
    cid = lax.axis_index("c")
    sid = lax.axis_index("s")
    wid = sid * NC + cid
    rbase = TC_ROWS + wid * RPW

    hrefs = (mu_h, s2_h, mup_h, s2p_h)
    bufs_a = (mu_a, s2_a, mup_a, s2p_a)
    bufs_b = (mu_b, s2_b, mup_b, s2p_b)

    pltpu.sync_copy(lab_h.at[pl.ds(rbase, RPW)], lab_v)

    def start(ci, bufs, sem):
        e0 = (rbase + ci * CHUNK) * D
        for h, v in zip(hrefs, bufs):
            pltpu.async_copy(h.at[pl.ds(e0, CHUNK * D)], v, sem)

    def wait(ci, bufs, sem):
        e0 = (rbase + ci * CHUNK) * D
        for h, v in zip(hrefs, bufs):
            pltpu.make_async_copy(h.at[pl.ds(e0, CHUNK * D)], v, sem).wait()

    ones = jnp.ones((L,), jnp.float32)
    zeros = jnp.zeros((L,), jnp.float32)

    def compute(bufs, ci, acc, cnt):
        mu_v, s2_v, mup_v, s2p_v = bufs

        def grp_body(g, carry):
            acc1, cnt1 = carry
            labs = lab_v[pl.ds(ci * CHUNK + g * L, L)]
            maskf = jnp.where(labs != 4, ones, zeros)
            cnt1 = cnt1 + maskf

            def row_body(r, acc2):
                msk = lax.gather(
                    maskf, jnp.full((L, 1), r, jnp.int32), _SPLAT_DNUMS,
                    slice_sizes=(1,),
                    mode=lax.GatherScatterMode.PROMISE_IN_BOUNDS)
                off = (g * L + r) * D
                rowacc = None
                for j in range(D // L):
                    o = off + j * L
                    m = mu_v[pl.ds(o, L)]
                    s2 = s2_v[pl.ds(o, L)]
                    mp = mup_v[pl.ds(o, L)]
                    s2p = s2p_v[pl.ds(o, L)]
                    d = s2 - s2p
                    dm = m - mp
                    term = d - jnp.exp(d) - dm * dm * jnp.exp(-s2p)
                    rowacc = term if rowacc is None else rowacc + term
                return acc2 + msk * rowacc

            acc1 = lax.fori_loop(0, L, row_body, acc1)
            return acc1, cnt1

        return lax.fori_loop(0, NGRP, grp_body, (acc, cnt))

    start(0, bufs_a, sem_a)

    def pair_body(i, carry):
        acc, cnt = carry
        ci0 = 2 * i
        wait(ci0, bufs_a, sem_a)
        start(ci0 + 1, bufs_b, sem_b)
        acc, cnt = compute(bufs_a, ci0, acc, cnt)
        wait(ci0 + 1, bufs_b, sem_b)

        @pl.when(ci0 + 2 < NCHUNKS)
        def _():
            start(ci0 + 2, bufs_a, sem_a)

        acc, cnt = compute(bufs_b, ci0 + 1, acc, cnt)
        return acc, cnt

    acc, cnt = lax.fori_loop(0, NCHUNKS // 2, pair_body, (zeros, zeros))
    out_v[pl.ds(0, L)] = acc
    out_v[pl.ds(L, L)] = cnt
    pltpu.sync_copy(out_v, out_h.at[wid])


def _tc_body(mu, s2, mup, s2p, lab, acc, cnt):
    i = pl.program_id(0)

    @pl.when(i == 0)
    def _():
        acc[...] = jnp.zeros((8, D), jnp.float32)
        cnt[...] = jnp.zeros((8, D), jnp.float32)

    m = mu[...]
    v = s2[...]
    mp = mup[...]
    vp = s2p[...]
    d = v - vp
    dm = m - mp
    term = d - jnp.exp(d) - dm * dm * jnp.exp(-vp)
    mask = (lab[...] != 4).astype(jnp.float32).reshape(R, 1)
    acc[...] += jnp.sum((term * mask).reshape(R // 8, 8, D), axis=0)
    cnt[...] += jnp.sum(jnp.broadcast_to(mask, (R, D)).reshape(R // 8, 8, D),
                        axis=0)


@jax.jit
def _run(mu, sigma2, mu_pri, sigma2_pri, lab):
    mesh = plsc.VectorSubcoreMesh(core_axis_name="c", subcore_axis_name="s")
    sc_k = pl.kernel(
        _sc_body,
        mesh=mesh,
        out_type=jax.ShapeDtypeStruct((NW, 2 * L), jnp.float32),
        scratch_types=(
            [pltpu.VMEM((CHUNK * D,), jnp.float32) for _ in range(8)]
            + [pltpu.VMEM((RPW,), jnp.int32),
               pltpu.VMEM((2 * L,), jnp.float32),
               pltpu.SemaphoreType.DMA,
               pltpu.SemaphoreType.DMA]
        ),
    )
    sc_out = sc_k(mu.reshape(-1), sigma2.reshape(-1), mu_pri.reshape(-1),
                  sigma2_pri.reshape(-1), lab)

    blk = pl.BlockSpec((R, D), lambda i: (i, 0))
    tc_out = pl.pallas_call(
        _tc_body,
        grid=(G,),
        in_specs=[blk, blk, blk, blk, pl.BlockSpec((R,), lambda i: (i,))],
        out_specs=[pl.BlockSpec((8, D), lambda i: (0, 0))] * 2,
        out_shape=[jax.ShapeDtypeStruct((8, D), jnp.float32)] * 2,
    )(mu, sigma2, mu_pri, sigma2_pri, lab)

    total = jnp.sum(sc_out[:, :L]) + jnp.sum(tc_out[0])
    n = jnp.sum(sc_out[:, L:]) + jnp.sum(tc_out[1]) / D
    loss = -0.5 * (total + n * D) / n
    return jnp.where(n > 0, loss, jnp.float32(0.0))


def kernel(mu, sigma2, mu_pri, sigma2_pri, style_label):
    return _run(mu, sigma2, mu_pri, sigma2_pri,
                style_label.astype(jnp.int32))

# --- scband reference (transcript-rebuilt; emitter-appended) ---
"""Pipeline reference for scband-kl-selected-1-17609365913777 (READ-ONLY COPY).

The authoritative reference and input builder live on the scoring server;
editing this copy changes nothing except your own understanding.
"""

import jax, jax.numpy as jnp
import numpy as np

B, D = 16384, 128

def setup_inputs(seed: int = 0) -> dict:
    key = jax.random.key(seed)
    k1, k2, k3, k4, k5 = jax.random.split(key, 5)
    return {
        "mu": jax.random.normal(k1, (B, D), dtype=jnp.float32),
        "sigma2": jax.random.normal(k2, (B, D), dtype=jnp.float32),
        "mu_pri": jax.random.normal(k3, (B, D), dtype=jnp.float32),
        "sigma2_pri": jax.random.normal(k4, (B, D), dtype=jnp.float32),
        "style_label": jax.random.randint(k5, (B,), 0, 8),
    }

def reference(mu, sigma2, mu_pri, sigma2_pri, style_label):
    # torch version does index_select on rows where style_label != 4, then
    # computes -0.5 * sum(kl_terms) / n_selected. We express the same math
    # with a mask (jit-friendly, identical result).
    mask = (style_label != 4).astype(mu.dtype)  # [B]
    n = jnp.sum(mask)
    term = (1.0 + sigma2 - sigma2_pri
            - jnp.exp(sigma2) / jnp.exp(sigma2_pri)
            - (mu - mu_pri) ** 2 / jnp.exp(sigma2_pri))  # [B, D]
    total = jnp.sum(term * mask[:, None])
    loss = -0.5 * total / n
    # torch returns tensor([0]) if no rows selected
    return jnp.where(n > 0, loss, jnp.array(0.0, dtype=mu.dtype))

if __name__ == "__main__":
    import jax
    _d = setup_inputs()
    print(jax.jit(kernel)(*tuple(_d.values())))

</pallas_src>

<mosaic_0001>
#map = affine_map<(d0, d1) -> (0)>
#map1 = affine_map<(d0, d1) -> (0, 0)>
module attributes {stable_mosaic.version = 14 : i64} {
  func.func @_sc_body(%arg0: i32, %arg1: i32, %arg2: memref<2097152xf32, #tpu.memory_space<hbm>>, %arg3: memref<2097152xf32, #tpu.memory_space<hbm>>, %arg4: memref<2097152xf32, #tpu.memory_space<hbm>>, %arg5: memref<2097152xf32, #tpu.memory_space<hbm>>, %arg6: memref<16384xi32, #tpu.memory_space<hbm>>, %arg7: memref<32x32xf32, #tpu.memory_space<hbm>>, %arg8: memref<8192xf32, #tpu.memory_space<vmem>>, %arg9: memref<8192xf32, #tpu.memory_space<vmem>>, %arg10: memref<8192xf32, #tpu.memory_space<vmem>>, %arg11: memref<8192xf32, #tpu.memory_space<vmem>>, %arg12: memref<8192xf32, #tpu.memory_space<vmem>>, %arg13: memref<8192xf32, #tpu.memory_space<vmem>>, %arg14: memref<8192xf32, #tpu.memory_space<vmem>>, %arg15: memref<8192xf32, #tpu.memory_space<vmem>>, %arg16: memref<128xi32, #tpu.memory_space<vmem>>, %arg17: memref<32xf32, #tpu.memory_space<vmem>>, %arg18: memref<!tpu.dma_semaphore, #tpu.memory_space<semaphore_mem>>, %arg19: memref<!tpu.dma_semaphore, #tpu.memory_space<semaphore_mem>>) attributes {dimension_semantics = [#tpu.dimension_semantics<core_parallel>, #tpu.dimension_semantics<subcore_parallel>], iteration_bounds = array<i64: 2, 16>, scalar_prefetch = 0 : i64, scratch_operands = 12 : i64, tpu.core_type = #tpu.core_type<sc_vector_subcore>, window_params = [{transform_indices = #map}, {transform_indices = #map}, {transform_indices = #map}, {transform_indices = #map}, {transform_indices = #map}, {transform_indices = #map1}]} {
    %mul3A = arith.constant 2 : i32
    %mul3A_0 = arith.muli %arg1, %mul3A : i32
    %add3A = arith.addi %mul3A_0, %arg0 : i32
    %mul3A_1 = arith.constant 128 : i32
    %mul3A_2 = arith.muli %add3A, %mul3A_1 : i32
    %add3A_3 = arith.constant 12288 : i32
    %add3A_4 = arith.addi %add3A_3, %mul3A_2 : i32
    "tpu.region"() ({
      %run_scoped3A = tpu.sem_alloc : memref<!tpu.dma_semaphore, #tpu.memory_space<semaphore_mem>>
      %dma_start3A_89 = tpu.memref_slice %arg6[%add3A_4] : memref<16384xi32, #tpu.memory_space<hbm>> -> memref<128xi32, #tpu.memory_space<hbm>>
      %dma_start3A_90 = tpu.memref_slice %arg6[%add3A_4] : memref<16384xi32, #tpu.memory_space<hbm>> -> memref<128xi32, #tpu.memory_space<hbm>>
      tpu.enqueue_dma source(%dma_start3A_90 : memref<128xi32, #tpu.memory_space<hbm>>) target(%arg16 : memref<128xi32, #tpu.memory_space<vmem>>) target_semaphore(%run_scoped3A : memref<!tpu.dma_semaphore, #tpu.memory_space<semaphore_mem>>)
      %dma_wait3A_91 = tpu.memref_slice %arg6[%add3A_4] : memref<16384xi32, #tpu.memory_space<hbm>> -> memref<128xi32, #tpu.memory_space<hbm>>
      %dma_wait3A_92 = tpu.memref_slice %arg6[%add3A_4] : memref<16384xi32, #tpu.memory_space<hbm>> -> memref<128xi32, #tpu.memory_space<hbm>>
      tpu.wait_dma2 semaphore(%run_scoped3A : memref<!tpu.dma_semaphore, #tpu.memory_space<semaphore_mem>>) src(%dma_wait3A_92 : memref<128xi32, #tpu.memory_space<hbm>>) dst(%arg16 : memref<128xi32, #tpu.memory_space<vmem>>)
      tpu.yield
    }) : () -> ()
    %broadcast_in_dim3A = arith.constant 1.000000e+00 : f32
    %broadcast_in_dim3A_5 = vector.broadcast %broadcast_in_dim3A : f32 to vector<16xf32>
    %broadcast_in_dim3A_6 = arith.constant 0.000000e+00 : f32
    %broadcast_in_dim3A_7 = vector.broadcast %broadcast_in_dim3A_6 : f32 to vector<16xf32>
    %add3A_8 = arith.constant 0 : i32
    %add3A_9 = arith.addi %add3A_4, %add3A_8 : i32
    %mul3A_10 = arith.constant 128 : i32
    %mul3A_11 = arith.muli %add3A_9, %mul3A_10 : i32
    %dma_start3A = tpu.memref_slice %arg2[%mul3A_11] : memref<2097152xf32, #tpu.memory_space<hbm>> -> memref<8192xf32, #tpu.memory_space<hbm>>
    %dma_start3A_12 = tpu.memref_slice %arg2[%mul3A_11] : memref<2097152xf32, #tpu.memory_space<hbm>> -> memref<8192xf32, #tpu.memory_space<hbm>>
    tpu.enqueue_dma source(%dma_start3A_12 : memref<8192xf32, #tpu.memory_space<hbm>>) target(%arg8 : memref<8192xf32, #tpu.memory_space<vmem>>) target_semaphore(%arg18 : memref<!tpu.dma_semaphore, #tpu.memory_space<semaphore_mem>>)
    %dma_start3A_13 = tpu.memref_slice %arg3[%mul3A_11] : memref<2097152xf32, #tpu.memory_space<hbm>> -> memref<8192xf32, #tpu.memory_space<hbm>>
    %dma_start3A_14 = tpu.memref_slice %arg3[%mul3A_11] : memref<2097152xf32, #tpu.memory_space<hbm>> -> memref<8192xf32, #tpu.memory_space<hbm>>
    tpu.enqueue_dma source(%dma_start3A_14 : memref<8192xf32, #tpu.memory_space<hbm>>) target(%arg9 : memref<8192xf32, #tpu.memory_space<vmem>>) target_semaphore(%arg18 : memref<!tpu.dma_semaphore, #tpu.memory_space<semaphore_mem>>)
    %dma_start3A_15 = tpu.memref_slice %arg4[%mul3A_11] : memref<2097152xf32, #tpu.memory_space<hbm>> -> memref<8192xf32, #tpu.memory_space<hbm>>
    %dma_start3A_16 = tpu.memref_slice %arg4[%mul3A_11] : memref<2097152xf32, #tpu.memory_space<hbm>> -> memref<8192xf32, #tpu.memory_space<hbm>>
    tpu.enqueue_dma source(%dma_start3A_16 : memref<8192xf32, #tpu.memory_space<hbm>>) target(%arg10 : memref<8192xf32, #tpu.memory_space<vmem>>) target_semaphore(%arg18 : memref<!tpu.dma_semaphore, #tpu.memory_space<semaphore_mem>>)
    %dma_start3A_17 = tpu.memref_slice %arg5[%mul3A_11] : memref<2097152xf32, #tpu.memory_space<hbm>> -> memref<8192xf32, #tpu.memory_space<hbm>>
    %dma_start3A_18 = tpu.memref_slice %arg5[%mul3A_11] : memref<2097152xf32, #tpu.memory_space<hbm>> -> memref<8192xf32, #tpu.memory_space<hbm>>
    tpu.enqueue_dma source(%dma_start3A_18 : memref<8192xf32, #tpu.memory_space<hbm>>) target(%arg11 : memref<8192xf32, #tpu.memory_space<vmem>>) target_semaphore(%arg18 : memref<!tpu.dma_semaphore, #tpu.memory_space<semaphore_mem>>)
    %scan3A = arith.constant 0 : i32
    %mul3A_19 = arith.constant 2 : i32
    %mul3A_20 = arith.muli %mul3A_19, %scan3A : i32
    %mul3A_21 = arith.constant 64 : i32
    %mul3A_22 = arith.muli %mul3A_20, %mul3A_21 : i32
    %add3A_23 = arith.addi %add3A_4, %mul3A_22 : i32
    %mul3A_24 = arith.constant 128 : i32
    %mul3A_25 = arith.muli %add3A_23, %mul3A_24 : i32
    %dma_wait3A = tpu.memref_slice %arg2[%mul3A_25] : memref<2097152xf32, #tpu.memory_space<hbm>> -> memref<8192xf32, #tpu.memory_space<hbm>>
    %dma_wait3A_26 = tpu.memref_slice %arg2[%mul3A_25] : memref<2097152xf32, #tpu.memory_space<hbm>> -> memref<8192xf32, #tpu.memory_space<hbm>>
    tpu.wait_dma2 semaphore(%arg18 : memref<!tpu.dma_semaphore, #tpu.memory_space<semaphore_mem>>) src(%dma_wait3A_26 : memref<8192xf32, #tpu.memory_space<hbm>>) dst(%arg8 : memref<8192xf32, #tpu.memory_space<vmem>>)
    %dma_wait3A_27 = tpu.memref_slice %arg3[%mul3A_25] : memref<2097152xf32, #tpu.memory_space<hbm>> -> memref<8192xf32, #tpu.memory_space<hbm>>
    %dma_wait3A_28 = tpu.memref_slice %arg3[%mul3A_25] : memref<2097152xf32, #tpu.memory_space<hbm>> -> memref<8192xf32, #tpu.memory_space<hbm>>
    tpu.wait_dma2 semaphore(%arg18 : memref<!tpu.dma_semaphore, #tpu.memory_space<semaphore_mem>>) src(%dma_wait3A_28 : memref<8192xf32, #tpu.memory_space<hbm>>) dst(%arg9 : memref<8192xf32, #tpu.memory_space<vmem>>)
    %dma_wait3A_29 = tpu.memref_slice %arg4[%mul3A_25] : memref<2097152xf32, #tpu.memory_space<hbm>> -> memref<8192xf32, #tpu.memory_space<hbm>>
    %dma_wait3A_30 = tpu.memref_slice %arg4[%mul3A_25] : memref<2097152xf32, #tpu.memory_space<hbm>> -> memref<8192xf32, #tpu.memory_space<hbm>>
    tpu.wait_dma2 semaphore(%arg18 : memref<!tpu.dma_semaphore, #tpu.memory_space<semaphore_mem>>) src(%dma_wait3A_30 : memref<8192xf32, #tpu.memory_space<hbm>>) dst(%arg10 : memref<8192xf32, #tpu.memory_space<vmem>>)
    %dma_wait3A_31 = tpu.memref_slice %arg5[%mul3A_25] : memref<2097152xf32, #tpu.memory_space<hbm>> -> memref<8192xf32, #tpu.memory_space<hbm>>
    %dma_wait3A_32 = tpu.memref_slice %arg5[%mul3A_25] : memref<2097152xf32, #tpu.memory_space<hbm>> -> memref<8192xf32, #tpu.memory_space<hbm>>
    tpu.wait_dma2 semaphore(%arg18 : memref<!tpu.dma_semaphore, #tpu.memory_space<semaphore_mem>>) src(%dma_wait3A_32 : memref<8192xf32, #tpu.memory_space<hbm>>) dst(%arg11 : memref<8192xf32, #tpu.memory_space<vmem>>)
    %add3A_33 = arith.constant 1 : i32
    %add3A_34 = arith.addi %mul3A_20, %add3A_33 : i32
    %mul3A_35 = arith.constant 64 : i32
    %mul3A_36 = arith.muli %add3A_34, %mul3A_35 : i32
    %add3A_37 = arith.addi %add3A_4, %mul3A_36 : i32
    %mul3A_38 = arith.constant 128 : i32
    %mul3A_39 = arith.muli %add3A_37, %mul3A_38 : i32
    %dma_start3A_40 = tpu.memref_slice %arg2[%mul3A_39] : memref<2097152xf32, #tpu.memory_space<hbm>> -> memref<8192xf32, #tpu.memory_space<hbm>>
    %dma_start3A_41 = tpu.memref_slice %arg2[%mul3A_39] : memref<2097152xf32, #tpu.memory_space<hbm>> -> memref<8192xf32, #tpu.memory_space<hbm>>
    tpu.enqueue_dma source(%dma_start3A_41 : memref<8192xf32, #tpu.memory_space<hbm>>) target(%arg12 : memref<8192xf32, #tpu.memory_space<vmem>>) target_semaphore(%arg19 : memref<!tpu.dma_semaphore, #tpu.memory_space<semaphore_mem>>)
    %dma_start3A_42 = tpu.memref_slice %arg3[%mul3A_39] : memref<2097152xf32, #tpu.memory_space<hbm>> -> memref<8192xf32, #tpu.memory_space<hbm>>
    %dma_start3A_43 = tpu.memref_slice %arg3[%mul3A_39] : memref<2097152xf32, #tpu.memory_space<hbm>> -> memref<8192xf32, #tpu.memory_space<hbm>>
    tpu.enqueue_dma source(%dma_start3A_43 : memref<8192xf32, #tpu.memory_space<hbm>>) target(%arg13 : memref<8192xf32, #tpu.memory_space<vmem>>) target_semaphore(%arg19 : memref<!tpu.dma_semaphore, #tpu.memory_space<semaphore_mem>>)
    %dma_start3A_44 = tpu.memref_slice %arg4[%mul3A_39] : memref<2097152xf32, #tpu.memory_space<hbm>> -> memref<8192xf32, #tpu.memory_space<hbm>>
    %dma_start3A_45 = tpu.memref_slice %arg4[%mul3A_39] : memref<2097152xf32, #tpu.memory_space<hbm>> -> memref<8192xf32, #tpu.memory_space<hbm>>
    tpu.enqueue_dma source(%dma_start3A_45 : memref<8192xf32, #tpu.memory_space<hbm>>) target(%arg14 : memref<8192xf32, #tpu.memory_space<vmem>>) target_semaphore(%arg19 : memref<!tpu.dma_semaphore, #tpu.memory_space<semaphore_mem>>)
    %dma_start3A_46 = tpu.memref_slice %arg5[%mul3A_39] : memref<2097152xf32, #tpu.memory_space<hbm>> -> memref<8192xf32, #tpu.memory_space<hbm>>
    %dma_start3A_47 = tpu.memref_slice %arg5[%mul3A_39] : memref<2097152xf32, #tpu.memory_space<hbm>> -> memref<8192xf32, #tpu.memory_space<hbm>>
    tpu.enqueue_dma source(%dma_start3A_47 : memref<8192xf32, #tpu.memory_space<hbm>>) target(%arg15 : memref<8192xf32, #tpu.memory_space<vmem>>) target_semaphore(%arg19 : memref<!tpu.dma_semaphore, #tpu.memory_space<semaphore_mem>>)
    %scan3A_48 = arith.constant 0 : i32
    %scan3A_49 = arith.constant 4 : i32
    %scan3A_50 = arith.addi %scan3A_48, %scan3A_49 : i32
    %scan3A_51 = arith.constant 1 : i32
    %scan3A_52:2 = scf.for %scan3A_89 = %scan3A_48 to %scan3A_50 step %scan3A_51 iter_args(%scan3A_90 = %broadcast_in_dim3A_7, %scan3A_91 = %broadcast_in_dim3A_7) -> (vector<16xf32>, vector<16xf32>)  : i32 {
      %mul3A_92 = arith.constant 64 : i32
      %mul3A_93 = arith.muli %mul3A_20, %mul3A_92 : i32
      %mul3A_94 = arith.constant 16 : i32
      %mul3A_95 = arith.muli %scan3A_89, %mul3A_94 : i32
      %add3A_96 = arith.addi %mul3A_93, %mul3A_95 : i32
      %get3A = arith.index_cast %add3A_96 : i32 to index
      %get3A_97 = tpu.vector_load %arg16[%get3A] {strides = array<i32>} : memref<128xi32, #tpu.memory_space<vmem>>, vector<16xi32>,
      %get3A_98 = vector.shape_cast %get3A_97 : vector<16xi32> to vector<16xi32>
      %ne3A = arith.constant 4 : i32
      %ne3A_99 = vector.broadcast %ne3A : i32 to vector<16xi32>
      %ne3A_100 = arith.cmpi ne, %get3A_98, %ne3A_99 : vector<16xi32>
      %select_n3A = arith.select %ne3A_100, %broadcast_in_dim3A_5, %broadcast_in_dim3A_7 : vector<16xi1>, vector<16xf32>
      %add3A_101 = arith.addf %scan3A_91, %select_n3A : vector<16xf32>
      %scan3A_102 = arith.constant 0 : i32
      %scan3A_103 = arith.constant 16 : i32
      %scan3A_104 = arith.addi %scan3A_102, %scan3A_103 : i32
      %scan3A_105 = arith.constant 1 : i32
      %scan3A_106 = scf.for %scan3A_108 = %scan3A_102 to %scan3A_104 step %scan3A_105 iter_args(%scan3A_109 = %scan3A_90) -> (vector<16xf32>)  : i32 {
        %broadcast_in_dim3A_110 = vector.broadcast %scan3A_108 : i32 to vector<16x1xi32>
        %gather3A = vector.shape_cast %broadcast_in_dim3A_110 : vector<16x1xi32> to vector<16xi32>
        %gather3A_111 = tpu.dynamic_gather %select_n3A[%gather3A] in [0] : vector<16xf32>, vector<16xi32> -> vector<16xf32>
        %mul3A_112 = arith.constant 16 : i32
        %mul3A_113 = arith.muli %scan3A_89, %mul3A_112 : i32
        %add3A_114 = arith.addi %mul3A_113, %scan3A_108 : i32
        %mul3A_115 = arith.constant 128 : i32
        %mul3A_116 = arith.muli %add3A_114, %mul3A_115 : i32
        %add3A_117 = arith.constant 0 : i32
        %add3A_118 = arith.addi %mul3A_116, %add3A_117 : i32
        %get3A_119 = arith.index_cast %add3A_118 : i32 to index
        %get3A_120 = tpu.vector_load %arg8[%get3A_119] {strides = array<i32>} : memref<8192xf32, #tpu.memory_space<vmem>>, vector<16xf32>,
        %get3A_121 = vector.shape_cast %get3A_120 : vector<16xf32> to vector<16xf32>
        %get3A_122 = arith.index_cast %add3A_118 : i32 to index
        %get3A_123 = tpu.vector_load %arg9[%get3A_122] {strides = array<i32>} : memref<8192xf32, #tpu.memory_space<vmem>>, vector<16xf32>,
        %get3A_124 = vector.shape_cast %get3A_123 : vector<16xf32> to vector<16xf32>
        %get3A_125 = arith.index_cast %add3A_118 : i32 to index
        %get3A_126 = tpu.vector_load %arg10[%get3A_125] {strides = array<i32>} : memref<8192xf32, #tpu.memory_space<vmem>>, vector<16xf32>,
        %get3A_127 = vector.shape_cast %get3A_126 : vector<16xf32> to vector<16xf32>
        %get3A_128 = arith.index_cast %add3A_118 : i32 to index
        %get3A_129 = tpu.vector_load %arg11[%get3A_128] {strides = array<i32>} : memref<8192xf32, #tpu.memory_space<vmem>>, vector<16xf32>,
        %get3A_130 = vector.shape_cast %get3A_129 : vector<16xf32> to vector<16xf32>
        %sub3A = arith.subf %get3A_124, %get3A_130 : vector<16xf32>
        %sub3A_131 = arith.subf %get3A_121, %get3A_127 : vector<16xf32>
        %exp3A = math.exp %sub3A : vector<16xf32>
        %sub3A_132 = arith.subf %sub3A, %exp3A : vector<16xf32>
        %mul3A_133 = arith.mulf %sub3A_131, %sub3A_131 : vector<16xf32>
        %neg3A = arith.constant 0.000000e+00 : f32
        %neg3A_134 = vector.broadcast %neg3A : f32 to vector<16xf32>
        %neg3A_135 = arith.subf %neg3A_134, %get3A_130 : vector<16xf32>
        %exp3A_136 = math.exp %neg3A_135 : vector<16xf32>
        %mul3A_137 = arith.mulf %mul3A_133, %exp3A_136 : vector<16xf32>
        %sub3A_138 = arith.subf %sub3A_132, %mul3A_137 : vector<16xf32>
        %add3A_139 = arith.constant 16 : i32
        %add3A_140 = arith.addi %mul3A_116, %add3A_139 : i32
        %get3A_141 = arith.index_cast %add3A_140 : i32 to index
        %get3A_142 = tpu.vector_load %arg8[%get3A_141] {strides = array<i32>} : memref<8192xf32, #tpu.memory_space<vmem>>, vector<16xf32>,
        %get3A_143 = vector.shape_cast %get3A_142 : vector<16xf32> to vector<16xf32>
        %get3A_144 = arith.index_cast %add3A_140 : i32 to index
        %get3A_145 = tpu.vector_load %arg9[%get3A_144] {strides = array<i32>} : memref<8192xf32, #tpu.memory_space<vmem>>, vector<16xf32>,
        %get3A_146 = vector.shape_cast %get3A_145 : vector<16xf32> to vector<16xf32>
        %get3A_147 = arith.index_cast %add3A_140 : i32 to index
        %get3A_148 = tpu.vector_load %arg10[%get3A_147] {strides = array<i32>} : memref<8192xf32, #tpu.memory_space<vmem>>, vector<16xf32>,
        %get3A_149 = vector.shape_cast %get3A_148 : vector<16xf32> to vector<16xf32>
        %get3A_150 = arith.index_cast %add3A_140 : i32 to index
        %get3A_151 = tpu.vector_load %arg11[%get3A_150] {strides = array<i32>} : memref<8192xf32, #tpu.memory_space<vmem>>, vector<16xf32>,
        %get3A_152 = vector.shape_cast %get3A_151 : vector<16xf32> to vector<16xf32>
        %sub3A_153 = arith.subf %get3A_146, %get3A_152 : vector<16xf32>
        %sub3A_154 = arith.subf %get3A_143, %get3A_149 : vector<16xf32>
        %exp3A_155 = math.exp %sub3A_153 : vector<16xf32>
        %sub3A_156 = arith.subf %sub3A_153, %exp3A_155 : vector<16xf32>
        %mul3A_157 = arith.mulf %sub3A_154, %sub3A_154 : vector<16xf32>
        %neg3A_158 = arith.constant 0.000000e+00 : f32
        %neg3A_159 = vector.broadcast %neg3A_158 : f32 to vector<16xf32>
        %neg3A_160 = arith.subf %neg3A_159, %get3A_152 : vector<16xf32>
        %exp3A_161 = math.exp %neg3A_160 : vector<16xf32>
        %mul3A_162 = arith.mulf %mul3A_157, %exp3A_161 : vector<16xf32>
        %sub3A_163 = arith.subf %sub3A_156, %mul3A_162 : vector<16xf32>
        %add3A_164 = arith.addf %sub3A_138, %sub3A_163 : vector<16xf32>
        %add3A_165 = arith.constant 32 : i32
        %add3A_166 = arith.addi %mul3A_116, %add3A_165 : i32
        %get3A_167 = arith.index_cast %add3A_166 : i32 to index
        %get3A_168 = tpu.vector_load %arg8[%get3A_167] {strides = array<i32>} : memref<8192xf32, #tpu.memory_space<vmem>>, vector<16xf32>,
        %get3A_169 = vector.shape_cast %get3A_168 : vector<16xf32> to vector<16xf32>
        %get3A_170 = arith.index_cast %add3A_166 : i32 to index
        %get3A_171 = tpu.vector_load %arg9[%get3A_170] {strides = array<i32>} : memref<8192xf32, #tpu.memory_space<vmem>>, vector<16xf32>,
        %get3A_172 = vector.shape_cast %get3A_171 : vector<16xf32> to vector<16xf32>
        %get3A_173 = arith.index_cast %add3A_166 : i32 to index
        %get3A_174 = tpu.vector_load %arg10[%get3A_173] {strides = array<i32>} : memref<8192xf32, #tpu.memory_space<vmem>>, vector<16xf32>,
        %get3A_175 = vector.shape_cast %get3A_174 : vector<16xf32> to vector<16xf32>
        %get3A_176 = arith.index_cast %add3A_166 : i32 to index
        %get3A_177 = tpu.vector_load %arg11[%get3A_176] {strides = array<i32>} : memref<8192xf32, #tpu.memory_space<vmem>>, vector<16xf32>,
        %get3A_178 = vector.shape_cast %get3A_177 : vector<16xf32> to vector<16xf32>
        %sub3A_179 = arith.subf %get3A_172, %get3A_178 : vector<16xf32>
        %sub3A_180 = arith.subf %get3A_169, %get3A_175 : vector<16xf32>
        %exp3A_181 = math.exp %sub3A_179 : vector<16xf32>
        %sub3A_182 = arith.subf %sub3A_179, %exp3A_181 : vector<16xf32>
        %mul3A_183 = arith.mulf %sub3A_180, %sub3A_180 : vector<16xf32>
        %neg3A_184 = arith.constant 0.000000e+00 : f32
        %neg3A_185 = vector.broadcast %neg3A_184 : f32 to vector<16xf32>
        %neg3A_186 = arith.subf %neg3A_185, %get3A_178 : vector<16xf32>
        %exp3A_187 = math.exp %neg3A_186 : vector<16xf32>
        %mul3A_188 = arith.mulf %mul3A_183, %exp3A_187 : vector<16xf32>
        %sub3A_189 = arith.subf %sub3A_182, %mul3A_188 : vector<16xf32>
        %add3A_190 = arith.addf %add3A_164, %sub3A_189 : vector<16xf32>
        %add3A_191 = arith.constant 48 : i32
        %add3A_192 = arith.addi %mul3A_116, %add3A_191 : i32
        %get3A_193 = arith.index_cast %add3A_192 : i32 to index
        %get3A_194 = tpu.vector_load %arg8[%get3A_193] {strides = array<i32>} : memref<8192xf32, #tpu.memory_space<vmem>>, vector<16xf32>,
        %get3A_195 = vector.shape_cast %get3A_194 : vector<16xf32> to vector<16xf32>
        %get3A_196 = arith.index_cast %add3A_192 : i32 to index
        %get3A_197 = tpu.vector_load %arg9[%get3A_196] {strides = array<i32>} : memref<8192xf32, #tpu.memory_space<vmem>>, vector<16xf32>,
        %get3A_198 = vector.shape_cast %get3A_197 : vector<16xf32> to vector<16xf32>
        %get3A_199 = arith.index_cast %add3A_192 : i32 to index
        %get3A_200 = tpu.vector_load %arg10[%get3A_199] {strides = array<i32>} : memref<8192xf32, #tpu.memory_space<vmem>>, vector<16xf32>,
        %get3A_201 = vector.shape_cast %get3A_200 : vector<16xf32> to vector<16xf32>
        %get3A_202 = arith.index_cast %add3A_192 : i32 to index
        %get3A_203 = tpu.vector_load %arg11[%get3A_202] {strides = array<i32>} : memref<8192xf32, #tpu.memory_space<vmem>>, vector<16xf32>,
        %get3A_204 = vector.shape_cast %get3A_203 : vector<16xf32> to vector<16xf32>
        %sub3A_205 = arith.subf %get3A_198, %get3A_204 : vector<16xf32>
        %sub3A_206 = arith.subf %get3A_195, %get3A_201 : vector<16xf32>
        %exp3A_207 = math.exp %sub3A_205 : vector<16xf32>
        %sub3A_208 = arith.subf %sub3A_205, %exp3A_207 : vector<16xf32>
        %mul3A_209 = arith.mulf %sub3A_206, %sub3A_206 : vector<16xf32>
        %neg3A_210 = arith.constant 0.000000e+00 : f32
        %neg3A_211 = vector.broadcast %neg3A_210 : f32 to vector<16xf32>
        %neg3A_212 = arith.subf %neg3A_211, %get3A_204 : vector<16xf32>
        %exp3A_213 = math.exp %neg3A_212 : vector<16xf32>
        %mul3A_214 = arith.mulf %mul3A_209, %exp3A_213 : vector<16xf32>
        %sub3A_215 = arith.subf %sub3A_208, %mul3A_214 : vector<16xf32>
        %add3A_216 = arith.addf %add3A_190, %sub3A_215 : vector<16xf32>
        %add3A_217 = arith.constant 64 : i32
        %add3A_218 = arith.addi %mul3A_116, %add3A_217 : i32
        %get3A_219 = arith.index_cast %add3A_218 : i32 to index
        %get3A_220 = tpu.vector_load %arg8[%get3A_219] {strides = array<i32>} : memref<8192xf32, #tpu.memory_space<vmem>>, vector<16xf32>,
        %get3A_221 = vector.shape_cast %get3A_220 : vector<16xf32> to vector<16xf32>
        %get3A_222 = arith.index_cast %add3A_218 : i32 to index
        %get3A_223 = tpu.vector_load %arg9[%get3A_222] {strides = array<i32>} : memref<8192xf32, #tpu.memory_space<vmem>>, vector<16xf32>,
        %get3A_224 = vector.shape_cast %get3A_223 : vector<16xf32> to vector<16xf32>
        %get3A_225 = arith.index_cast %add3A_218 : i32 to index
        %get3A_226 = tpu.vector_load %arg10[%get3A_225] {strides = array<i32>} : memref<8192xf32, #tpu.memory_space<vmem>>, vector<16xf32>,
        %get3A_227 = vector.shape_cast %get3A_226 : vector<16xf32> to vector<16xf32>
        %get3A_228 = arith.index_cast %add3A_218 : i32 to index
        %get3A_229 = tpu.vector_load %arg11[%get3A_228] {strides = array<i32>} : memref<8192xf32, #tpu.memory_space<vmem>>, vector<16xf32>,
        %get3A_230 = vector.shape_cast %get3A_229 : vector<16xf32> to vector<16xf32>
        %sub3A_231 = arith.subf %get3A_224, %get3A_230 : vector<16xf32>
        %sub3A_232 = arith.subf %get3A_221, %get3A_227 : vector<16xf32>
        %exp3A_233 = math.exp %sub3A_231 : vector<16xf32>
        %sub3A_234 = arith.subf %sub3A_231, %exp3A_233 : vector<16xf32>
        %mul3A_235 = arith.mulf %sub3A_232, %sub3A_232 : vector<16xf32>
        %neg3A_236 = arith.constant 0.000000e+00 : f32
        %neg3A_237 = vector.broadcast %neg3A_236 : f32 to vector<16xf32>
        %neg3A_238 = arith.subf %neg3A_237, %get3A_230 : vector<16xf32>
        %exp3A_239 = math.exp %neg3A_238 : vector<16xf32>
        %mul3A_240 = arith.mulf %mul3A_235, %exp3A_239 : vector<16xf32>
        %sub3A_241 = arith.subf %sub3A_234, %mul3A_240 : vector<16xf32>
        %add3A_242 = arith.addf %add3A_216, %sub3A_241 : vector<16xf32>
        %add3A_243 = arith.constant 80 : i32
        %add3A_244 = arith.addi %mul3A_116, %add3A_243 : i32
        %get3A_245 = arith.index_cast %add3A_244 : i32 to index
        %get3A_246 = tpu.vector_load %arg8[%get3A_245] {strides = array<i32>} : memref<8192xf32, #tpu.memory_space<vmem>>, vector<16xf32>,
        %get3A_247 = vector.shape_cast %get3A_246 : vector<16xf32> to vector<16xf32>
        %get3A_248 = arith.index_cast %add3A_244 : i32 to index
        %get3A_249 = tpu.vector_load %arg9[%get3A_248] {strides = array<i32>} : memref<8192xf32, #tpu.memory_space<vmem>>, vector<16xf32>,
        %get3A_250 = vector.shape_cast %get3A_249 : vector<16xf32> to vector<16xf32>
        %get3A_251 = arith.index_cast %add3A_244 : i32 to index
        %get3A_252 = tpu.vector_load %arg10[%get3A_251] {strides = array<i32>} : memref<8192xf32, #tpu.memory_space<vmem>>, vector<16xf32>,
        %get3A_253 = vector.shape_cast %get3A_252 : vector<16xf32> to vector<16xf32>
        %get3A_254 = arith.index_cast %add3A_244 : i32 to index
        %get3A_255 = tpu.vector_load %arg11[%get3A_254] {strides = array<i32>} : memref<8192xf32, #tpu.memory_space<vmem>>, vector<16xf32>,
        %get3A_256 = vector.shape_cast %get3A_255 : vector<16xf32> to vector<16xf32>
        %sub3A_257 = arith.subf %get3A_250, %get3A_256 : vector<16xf32>
        %sub3A_258 = arith.subf %get3A_247, %get3A_253 : vector<16xf32>
        %exp3A_259 = math.exp %sub3A_257 : vector<16xf32>
        %sub3A_260 = arith.subf %sub3A_257, %exp3A_259 : vector<16xf32>
        %mul3A_261 = arith.mulf %sub3A_258, %sub3A_258 : vector<16xf32>
        %neg3A_262 = arith.constant 0.000000e+00 : f32
        %neg3A_263 = vector.broadcast %neg3A_262 : f32 to vector<16xf32>
        %neg3A_264 = arith.subf %neg3A_263, %get3A_256 : vector<16xf32>
        %exp3A_265 = math.exp %neg3A_264 : vector<16xf32>
        %mul3A_266 = arith.mulf %mul3A_261, %exp3A_265 : vector<16xf32>
        %sub3A_267 = arith.subf %sub3A_260, %mul3A_266 : vector<16xf32>
        %add3A_268 = arith.addf %add3A_242, %sub3A_267 : vector<16xf32>
        %add3A_269 = arith.constant 96 : i32
        %add3A_270 = arith.addi %mul3A_116, %add3A_269 : i32
        %get3A_271 = arith.index_cast %add3A_270 : i32 to index
        %get3A_272 = tpu.vector_load %arg8[%get3A_271] {strides = array<i32>} : memref<8192xf32, #tpu.memory_space<vmem>>, vector<16xf32>,
        %get3A_273 = vector.shape_cast %get3A_272 : vector<16xf32> to vector<16xf32>
        %get3A_274 = arith.index_cast %add3A_270 : i32 to index
        %get3A_275 = tpu.vector_load %arg9[%get3A_274] {strides = array<i32>} : memref<8192xf32, #tpu.memory_space<vmem>>, vector<16xf32>,
        %get3A_276 = vector.shape_cast %get3A_275 : vector<16xf32> to vector<16xf32>
        %get3A_277 = arith.index_cast %add3A_270 : i32 to index
        %get3A_278 = tpu.vector_load %arg10[%get3A_277] {strides = array<i32>} : memref<8192xf32, #tpu.memory_space<vmem>>, vector<16xf32>,
        %get3A_279 = vector.shape_cast %get3A_278 : vector<16xf32> to vector<16xf32>
        %get3A_280 = arith.index_cast %add3A_270 : i32 to index
        %get3A_281 = tpu.vector_load %arg11[%get3A_280] {strides = array<i32>} : memref<8192xf32, #tpu.memory_space<vmem>>, vector<16xf32>,
        %get3A_282 = vector.shape_cast %get3A_281 : vector<16xf32> to vector<16xf32>
        %sub3A_283 = arith.subf %get3A_276, %get3A_282 : vector<16xf32>
        %sub3A_284 = arith.subf %get3A_273, %get3A_279 : vector<16xf32>
        %exp3A_285 = math.exp %sub3A_283 : vector<16xf32>
        %sub3A_286 = arith.subf %sub3A_283, %exp3A_285 : vector<16xf32>
        %mul3A_287 = arith.mulf %sub3A_284, %sub3A_284 : vector<16xf32>
        %neg3A_288 = arith.constant 0.000000e+00 : f32
        %neg3A_289 = vector.broadcast %neg3A_288 : f32 to vector<16xf32>
        %neg3A_290 = arith.subf %neg3A_289, %get3A_282 : vector<16xf32>
        %exp3A_291 = math.exp %neg3A_290 : vector<16xf32>
        %mul3A_292 = arith.mulf %mul3A_287, %exp3A_291 : vector<16xf32>
        %sub3A_293 = arith.subf %sub3A_286, %mul3A_292 : vector<16xf32>
        %add3A_294 = arith.addf %add3A_268, %sub3A_293 : vector<16xf32>
        %add3A_295 = arith.constant 112 : i32
        %add3A_296 = arith.addi %mul3A_116, %add3A_295 : i32
        %get3A_297 = arith.index_cast %add3A_296 : i32 to index
        %get3A_298 = tpu.vector_load %arg8[%get3A_297] {strides = array<i32>} : memref<8192xf32, #tpu.memory_space<vmem>>, vector<16xf32>,
        %get3A_299 = vector.shape_cast %get3A_298 : vector<16xf32> to vector<16xf32>
        %get3A_300 = arith.index_cast %add3A_296 : i32 to index
        %get3A_301 = tpu.vector_load %arg9[%get3A_300] {strides = array<i32>} : memref<8192xf32, #tpu.memory_space<vmem>>, vector<16xf32>,
        %get3A_302 = vector.shape_cast %get3A_301 : vector<16xf32> to vector<16xf32>
        %get3A_303 = arith.index_cast %add3A_296 : i32 to index
        %get3A_304 = tpu.vector_load %arg10[%get3A_303] {strides = array<i32>} : memref<8192xf32, #tpu.memory_space<vmem>>, vector<16xf32>,
        %get3A_305 = vector.shape_cast %get3A_304 : vector<16xf32> to vector<16xf32>
        %get3A_306 = arith.index_cast %add3A_296 : i32 to index
        %get3A_307 = tpu.vector_load %arg11[%get3A_306] {strides = array<i32>} : memref<8192xf32, #tpu.memory_space<vmem>>, vector<16xf32>,
        %get3A_308 = vector.shape_cast %get3A_307 : vector<16xf32> to vector<16xf32>
        %sub3A_309 = arith.subf %get3A_302, %get3A_308 : vector<16xf32>
        %sub3A_310 = arith.subf %get3A_299, %get3A_305 : vector<16xf32>
        %exp3A_311 = math.exp %sub3A_309 : vector<16xf32>
        %sub3A_312 = arith.subf %sub3A_309, %exp3A_311 : vector<16xf32>
        %mul3A_313 = arith.mulf %sub3A_310, %sub3A_310 : vector<16xf32>
        %neg3A_314 = arith.constant 0.000000e+00 : f32
        %neg3A_315 = vector.broadcast %neg3A_314 : f32 to vector<16xf32>
        %neg3A_316 = arith.subf %neg3A_315, %get3A_308 : vector<16xf32>
        %exp3A_317 = math.exp %neg3A_316 : vector<16xf32>
        %mul3A_318 = arith.mulf %mul3A_313, %exp3A_317 : vector<16xf32>
        %sub3A_319 = arith.subf %sub3A_312, %mul3A_318 : vector<16xf32>
        %add3A_320 = arith.addf %add3A_294, %sub3A_319 : vector<16xf32>
        %mul3A_321 = arith.mulf %gather3A_111, %add3A_320 : vector<16xf32>
        %add3A_322 = arith.addf %scan3A_109, %mul3A_321 : vector<16xf32>
        scf.yield %add3A_322 : vector<16xf32>
      }
      %scan3A_107 = arith.constant 16 : i32
      scf.yield %scan3A_106, %add3A_101 : vector<16xf32>, vector<16xf32>
    }
    %scan3A_53 = arith.constant 4 : i32
    %add3A_54 = arith.constant 1 : i32
    %add3A_55 = arith.addi %mul3A_20, %add3A_54 : i32
    %mul3A_56 = arith.constant 64 : i32
    %mul3A_57 = arith.muli %add3A_55, %mul3A_56 : i32
    %add3A_58 = arith.addi %add3A_4, %mul3A_57 : i32
    %mul3A_59 = arith.constant 128 : i32
    %mul3A_60 = arith.muli %add3A_58, %mul3A_59 : i32
    %dma_wait3A_61 = tpu.memref_slice %arg2[%mul3A_60] : memref<2097152xf32, #tpu.memory_space<hbm>> -> memref<8192xf32, #tpu.memory_space<hbm>>
    %dma_wait3A_62 = tpu.memref_slice %arg2[%mul3A_60] : memref<2097152xf32, #tpu.memory_space<hbm>> -> memref<8192xf32, #tpu.memory_space<hbm>>
    tpu.wait_dma2 semaphore(%arg19 : memref<!tpu.dma_semaphore, #tpu.memory_space<semaphore_mem>>) src(%dma_wait3A_62 : memref<8192xf32, #tpu.memory_space<hbm>>) dst(%arg12 : memref<8192xf32, #tpu.memory_space<vmem>>)
    %dma_wait3A_63 = tpu.memref_slice %arg3[%mul3A_60] : memref<2097152xf32, #tpu.memory_space<hbm>> -> memref<8192xf32, #tpu.memory_space<hbm>>
    %dma_wait3A_64 = tpu.memref_slice %arg3[%mul3A_60] : memref<2097152xf32, #tpu.memory_space<hbm>> -> memref<8192xf32, #tpu.memory_space<hbm>>
    tpu.wait_dma2 semaphore(%arg19 : memref<!tpu.dma_semaphore, #tpu.memory_space<semaphore_mem>>) src(%dma_wait3A_64 : memref<8192xf32, #tpu.memory_space<hbm>>) dst(%arg13 : memref<8192xf32, #tpu.memory_space<vmem>>)
    %dma_wait3A_65 = tpu.memref_slice %arg4[%mul3A_60] : memref<2097152xf32, #tpu.memory_space<hbm>> -> memref<8192xf32, #tpu.memory_space<hbm>>
    %dma_wait3A_66 = tpu.memref_slice %arg4[%mul3A_60] : memref<2097152xf32, #tpu.memory_space<hbm>> -> memref<8192xf32, #tpu.memory_space<hbm>>
    tpu.wait_dma2 semaphore(%arg19 : memref<!tpu.dma_semaphore, #tpu.memory_space<semaphore_mem>>) src(%dma_wait3A_66 : memref<8192xf32, #tpu.memory_space<hbm>>) dst(%arg14 : memref<8192xf32, #tpu.memory_space<vmem>>)
    %dma_wait3A_67 = tpu.memref_slice %arg5[%mul3A_60] : memref<2097152xf32, #tpu.memory_space<hbm>> -> memref<8192xf32, #tpu.memory_space<hbm>>
    %dma_wait3A_68 = tpu.memref_slice %arg5[%mul3A_60] : memref<2097152xf32, #tpu.memory_space<hbm>> -> memref<8192xf32, #tpu.memory_space<hbm>>
    tpu.wait_dma2 semaphore(%arg19 : memref<!tpu.dma_semaphore, #tpu.memory_space<semaphore_mem>>) src(%dma_wait3A_68 : memref<8192xf32, #tpu.memory_space<hbm>>) dst(%arg15 : memref<8192xf32, #tpu.memory_space<vmem>>)
    %add3A_69 = arith.constant 2 : i32
    %add3A_70 = arith.addi %mul3A_20, %add3A_69 : i32
    %lt3A = arith.constant 2 : i32
    %lt3A_71 = arith.cmpi slt, %add3A_70, %lt3A : i32
    %convert_element_type3A = arith.extui %lt3A_71 : i1 to i32
    %cond3A = arith.constant 0 : i32
    %cond3A_72 = arith.cmpi ne, %convert_element_type3A, %cond3A : i32
    scf.if %cond3A_72 {
      %add3A_89 = arith.constant 2 : i32
      %add3A_90 = arith.addi %mul3A_20, %add3A_89 : i32
      %mul3A_91 = arith.constant 64 : i32
      %mul3A_92 = arith.muli %add3A_90, %mul3A_91 : i32
      %add3A_93 = arith.addi %add3A_4, %mul3A_92 : i32
      %mul3A_94 = arith.constant 128 : i32
      %mul3A_95 = arith.muli %add3A_93, %mul3A_94 : i32
      %dma_start3A_96 = tpu.memref_slice %arg2[%mul3A_95] : memref<2097152xf32, #tpu.memory_space<hbm>> -> memref<8192xf32, #tpu.memory_space<hbm>>
      %dma_start3A_97 = tpu.memref_slice %arg2[%mul3A_95] : memref<2097152xf32, #tpu.memory_space<hbm>> -> memref<8192xf32, #tpu.memory_space<hbm>>
      tpu.enqueue_dma source(%dma_start3A_97 : memref<8192xf32, #tpu.memory_space<hbm>>) target(%arg8 : memref<8192xf32, #tpu.memory_space<vmem>>) target_semaphore(%arg18 : memref<!tpu.dma_semaphore, #tpu.memory_space<semaphore_mem>>)
      %dma_start3A_98 = tpu.memref_slice %arg3[%mul3A_95] : memref<2097152xf32, #tpu.memory_space<hbm>> -> memref<8192xf32, #tpu.memory_space<hbm>>
      %dma_start3A_99 = tpu.memref_slice %arg3[%mul3A_95] : memref<2097152xf32, #tpu.memory_space<hbm>> -> memref<8192xf32, #tpu.memory_space<hbm>>
      tpu.enqueue_dma source(%dma_start3A_99 : memref<8192xf32, #tpu.memory_space<hbm>>) target(%arg9 : memref<8192xf32, #tpu.memory_space<vmem>>) target_semaphore(%arg18 : memref<!tpu.dma_semaphore, #tpu.memory_space<semaphore_mem>>)
      %dma_start3A_100 = tpu.memref_slice %arg4[%mul3A_95] : memref<2097152xf32, #tpu.memory_space<hbm>> -> memref<8192xf32, #tpu.memory_space<hbm>>
      %dma_start3A_101 = tpu.memref_slice %arg4[%mul3A_95] : memref<2097152xf32, #tpu.memory_space<hbm>> -> memref<8192xf32, #tpu.memory_space<hbm>>
      tpu.enqueue_dma source(%dma_start3A_101 : memref<8192xf32, #tpu.memory_space<hbm>>) target(%arg10 : memref<8192xf32, #tpu.memory_space<vmem>>) target_semaphore(%arg18 : memref<!tpu.dma_semaphore, #tpu.memory_space<semaphore_mem>>)
      %dma_start3A_102 = tpu.memref_slice %arg5[%mul3A_95] : memref<2097152xf32, #tpu.memory_space<hbm>> -> memref<8192xf32, #tpu.memory_space<hbm>>
      %dma_start3A_103 = tpu.memref_slice %arg5[%mul3A_95] : memref<2097152xf32, #tpu.memory_space<hbm>> -> memref<8192xf32, #tpu.memory_space<hbm>>
      tpu.enqueue_dma source(%dma_start3A_103 : memref<8192xf32, #tpu.memory_space<hbm>>) target(%arg11 : memref<8192xf32, #tpu.memory_space<vmem>>) target_semaphore(%arg18 : memref<!tpu.dma_semaphore, #tpu.memory_space<semaphore_mem>>)
    } else {
    }
    %add3A_73 = arith.constant 1 : i32
    %add3A_74 = arith.addi %mul3A_20, %add3A_73 : i32
    %scan3A_75 = arith.constant 0 : i32
    %scan3A_76 = arith.constant 4 : i32
    %scan3A_77 = arith.addi %scan3A_75, %scan3A_76 : i32
    %scan3A_78 = arith.constant 1 : i32
    %scan3A_79:2 = scf.for %scan3A_89 = %scan3A_75 to %scan3A_77 step %scan3A_78 iter_args(%scan3A_90 = %scan3A_52#0, %scan3A_91 = %scan3A_52#1) -> (vector<16xf32>, vector<16xf32>)  : i32 {
      %mul3A_92 = arith.constant 64 : i32
      %mul3A_93 = arith.muli %add3A_74, %mul3A_92 : i32
      %mul3A_94 = arith.constant 16 : i32
      %mul3A_95 = arith.muli %scan3A_89, %mul3A_94 : i32
      %add3A_96 = arith.addi %mul3A_93, %mul3A_95 : i32
      %get3A = arith.index_cast %add3A_96 : i32 to index
      %get3A_97 = tpu.vector_load %arg16[%get3A] {strides = array<i32>} : memref<128xi32, #tpu.memory_space<vmem>>, vector<16xi32>,
      %get3A_98 = vector.shape_cast %get3A_97 : vector<16xi32> to vector<16xi32>
      %ne3A = arith.constant 4 : i32
      %ne3A_99 = vector.broadcast %ne3A : i32 to vector<16xi32>
      %ne3A_100 = arith.cmpi ne, %get3A_98, %ne3A_99 : vector<16xi32>
      %select_n3A = arith.select %ne3A_100, %broadcast_in_dim3A_5, %broadcast_in_dim3A_7 : vector<16xi1>, vector<16xf32>
      %add3A_101 = arith.addf %scan3A_91, %select_n3A : vector<16xf32>
      %scan3A_102 = arith.constant 0 : i32
      %scan3A_103 = arith.constant 16 : i32
      %scan3A_104 = arith.addi %scan3A_102, %scan3A_103 : i32
      %scan3A_105 = arith.constant 1 : i32
      %scan3A_106 = scf.for %scan3A_108 = %scan3A_102 to %scan3A_104 step %scan3A_105 iter_args(%scan3A_109 = %scan3A_90) -> (vector<16xf32>)  : i32 {
        %broadcast_in_dim3A_110 = vector.broadcast %scan3A_108 : i32 to vector<16x1xi32>
        %gather3A = vector.shape_cast %broadcast_in_dim3A_110 : vector<16x1xi32> to vector<16xi32>
        %gather3A_111 = tpu.dynamic_gather %select_n3A[%gather3A] in [0] : vector<16xf32>, vector<16xi32> -> vector<16xf32>
        %mul3A_112 = arith.constant 16 : i32
        %mul3A_113 = arith.muli %scan3A_89, %mul3A_112 : i32
        %add3A_114 = arith.addi %mul3A_113, %scan3A_108 : i32
        %mul3A_115 = arith.constant 128 : i32
        %mul3A_116 = arith.muli %add3A_114, %mul3A_115 : i32
        %add3A_117 = arith.constant 0 : i32
        %add3A_118 = arith.addi %mul3A_116, %add3A_117 : i32
        %get3A_119 = arith.index_cast %add3A_118 : i32 to index
        %get3A_120 = tpu.vector_load %arg12[%get3A_119] {strides = array<i32>} : memref<8192xf32, #tpu.memory_space<vmem>>, vector<16xf32>,
        %get3A_121 = vector.shape_cast %get3A_120 : vector<16xf32> to vector<16xf32>
        %get3A_122 = arith.index_cast %add3A_118 : i32 to index
        %get3A_123 = tpu.vector_load %arg13[%get3A_122] {strides = array<i32>} : memref<8192xf32, #tpu.memory_space<vmem>>, vector<16xf32>,
        %get3A_124 = vector.shape_cast %get3A_123 : vector<16xf32> to vector<16xf32>
        %get3A_125 = arith.index_cast %add3A_118 : i32 to index
        %get3A_126 = tpu.vector_load %arg14[%get3A_125] {strides = array<i32>} : memref<8192xf32, #tpu.memory_space<vmem>>, vector<16xf32>,
        %get3A_127 = vector.shape_cast %get3A_126 : vector<16xf32> to vector<16xf32>
        %get3A_128 = arith.index_cast %add3A_118 : i32 to index
        %get3A_129 = tpu.vector_load %arg15[%get3A_128] {strides = array<i32>} : memref<8192xf32, #tpu.memory_space<vmem>>, vector<16xf32>,
        %get3A_130 = vector.shape_cast %get3A_129 : vector<16xf32> to vector<16xf32>
        %sub3A = arith.subf %get3A_124, %get3A_130 : vector<16xf32>
        %sub3A_131 = arith.subf %get3A_121, %get3A_127 : vector<16xf32>
        %exp3A = math.exp %sub3A : vector<16xf32>
        %sub3A_132 = arith.subf %sub3A, %exp3A : vector<16xf32>
        %mul3A_133 = arith.mulf %sub3A_131, %sub3A_131 : vector<16xf32>
        %neg3A = arith.constant 0.000000e+00 : f32
        %neg3A_134 = vector.broadcast %neg3A : f32 to vector<16xf32>
        %neg3A_135 = arith.subf %neg3A_134, %get3A_130 : vector<16xf32>
        %exp3A_136 = math.exp %neg3A_135 : vector<16xf32>
        %mul3A_137 = arith.mulf %mul3A_133, %exp3A_136 : vector<16xf32>
        %sub3A_138 = arith.subf %sub3A_132, %mul3A_137 : vector<16xf32>
        %add3A_139 = arith.constant 16 : i32
        %add3A_140 = arith.addi %mul3A_116, %add3A_139 : i32
        %get3A_141 = arith.index_cast %add3A_140 : i32 to index
        %get3A_142 = tpu.vector_load %arg12[%get3A_141] {strides = array<i32>} : memref<8192xf32, #tpu.memory_space<vmem>>, vector<16xf32>,
        %get3A_143 = vector.shape_cast %get3A_142 : vector<16xf32> to vector<16xf32>
        %get3A_144 = arith.index_cast %add3A_140 : i32 to index
        %get3A_145 = tpu.vector_load %arg13[%get3A_144] {strides = array<i32>} : memref<8192xf32, #tpu.memory_space<vmem>>, vector<16xf32>,
        %get3A_146 = vector.shape_cast %get3A_145 : vector<16xf32> to vector<16xf32>
        %get3A_147 = arith.index_cast %add3A_140 : i32 to index
        %get3A_148 = tpu.vector_load %arg14[%get3A_147] {strides = array<i32>} : memref<8192xf32, #tpu.memory_space<vmem>>, vector<16xf32>,
        %get3A_149 = vector.shape_cast %get3A_148 : vector<16xf32> to vector<16xf32>
        %get3A_150 = arith.index_cast %add3A_140 : i32 to index
        %get3A_151 = tpu.vector_load %arg15[%get3A_150] {strides = array<i32>} : memref<8192xf32, #tpu.memory_space<vmem>>, vector<16xf32>,
        %get3A_152 = vector.shape_cast %get3A_151 : vector<16xf32> to vector<16xf32>
        %sub3A_153 = arith.subf %get3A_146, %get3A_152 : vector<16xf32>
        %sub3A_154 = arith.subf %get3A_143, %get3A_149 : vector<16xf32>
        %exp3A_155 = math.exp %sub3A_153 : vector<16xf32>
        %sub3A_156 = arith.subf %sub3A_153, %exp3A_155 : vector<16xf32>
        %mul3A_157 = arith.mulf %sub3A_154, %sub3A_154 : vector<16xf32>
        %neg3A_158 = arith.constant 0.000000e+00 : f32
        %neg3A_159 = vector.broadcast %neg3A_158 : f32 to vector<16xf32>
        %neg3A_160 = arith.subf %neg3A_159, %get3A_152 : vector<16xf32>
        %exp3A_161 = math.exp %neg3A_160 : vector<16xf32>
        %mul3A_162 = arith.mulf %mul3A_157, %exp3A_161 : vector<16xf32>
        %sub3A_163 = arith.subf %sub3A_156, %mul3A_162 : vector<16xf32>
        %add3A_164 = arith.addf %sub3A_138, %sub3A_163 : vector<16xf32>
        %add3A_165 = arith.constant 32 : i32
        %add3A_166 = arith.addi %mul3A_116, %add3A_165 : i32
        %get3A_167 = arith.index_cast %add3A_166 : i32 to index
        %get3A_168 = tpu.vector_load %arg12[%get3A_167] {strides = array<i32>} : memref<8192xf32, #tpu.memory_space<vmem>>, vector<16xf32>,
        %get3A_169 = vector.shape_cast %get3A_168 : vector<16xf32> to vector<16xf32>
        %get3A_170 = arith.index_cast %add3A_166 : i32 to index
        %get3A_171 = tpu.vector_load %arg13[%get3A_170] {strides = array<i32>} : memref<8192xf32, #tpu.memory_space<vmem>>, vector<16xf32>,
        %get3A_172 = vector.shape_cast %get3A_171 : vector<16xf32> to vector<16xf32>
        %get3A_173 = arith.index_cast %add3A_166 : i32 to index
        %get3A_174 = tpu.vector_load %arg14[%get3A_173] {strides = array<i32>} : memref<8192xf32, #tpu.memory_space<vmem>>, vector<16xf32>,
        %get3A_175 = vector.shape_cast %get3A_174 : vector<16xf32> to vector<16xf32>
        %get3A_176 = arith.index_cast %add3A_166 : i32 to index
        %get3A_177 = tpu.vector_load %arg15[%get3A_176] {strides = array<i32>} : memref<8192xf32, #tpu.memory_space<vmem>>, vector<16xf32>,
        %get3A_178 = vector.shape_cast %get3A_177 : vector<16xf32> to vector<16xf32>
        %sub3A_179 = arith.subf %get3A_172, %get3A_178 : vector<16xf32>
        %sub3A_180 = arith.subf %get3A_169, %get3A_175 : vector<16xf32>
        %exp3A_181 = math.exp %sub3A_179 : vector<16xf32>
        %sub3A_182 = arith.subf %sub3A_179, %exp3A_181 : vector<16xf32>
        %mul3A_183 = arith.mulf %sub3A_180, %sub3A_180 : vector<16xf32>
        %neg3A_184 = arith.constant 0.000000e+00 : f32
        %neg3A_185 = vector.broadcast %neg3A_184 : f32 to vector<16xf32>
        %neg3A_186 = arith.subf %neg3A_185, %get3A_178 : vector<16xf32>
        %exp3A_187 = math.exp %neg3A_186 : vector<16xf32>
        %mul3A_188 = arith.mulf %mul3A_183, %exp3A_187 : vector<16xf32>
        %sub3A_189 = arith.subf %sub3A_182, %mul3A_188 : vector<16xf32>
        %add3A_190 = arith.addf %add3A_164, %sub3A_189 : vector<16xf32>
        %add3A_191 = arith.constant 48 : i32
        %add3A_192 = arith.addi %mul3A_116, %add3A_191 : i32
        %get3A_193 = arith.index_cast %add3A_192 : i32 to index
        %get3A_194 = tpu.vector_load %arg12[%get3A_193] {strides = array<i32>} : memref<8192xf32, #tpu.memory_space<vmem>>, vector<16xf32>,
        %get3A_195 = vector.shape_cast %get3A_194 : vector<16xf32> to vector<16xf32>
        %get3A_196 = arith.index_cast %add3A_192 : i32 to index
        %get3A_197 = tpu.vector_load %arg13[%get3A_196] {strides = array<i32>} : memref<8192xf32, #tpu.memory_space<vmem>>, vector<16xf32>,
        %get3A_198 = vector.shape_cast %get3A_197 : vector<16xf32> to vector<16xf32>
        %get3A_199 = arith.index_cast %add3A_192 : i32 to index
        %get3A_200 = tpu.vector_load %arg14[%get3A_199] {strides = array<i32>} : memref<8192xf32, #tpu.memory_space<vmem>>, vector<16xf32>,
        %get3A_201 = vector.shape_cast %get3A_200 : vector<16xf32> to vector<16xf32>
        %get3A_202 = arith.index_cast %add3A_192 : i32 to index
        %get3A_203 = tpu.vector_load %arg15[%get3A_202] {strides = array<i32>} : memref<8192xf32, #tpu.memory_space<vmem>>, vector<16xf32>,
        %get3A_204 = vector.shape_cast %get3A_203 : vector<16xf32> to vector<16xf32>
        %sub3A_205 = arith.subf %get3A_198, %get3A_204 : vector<16xf32>
        %sub3A_206 = arith.subf %get3A_195, %get3A_201 : vector<16xf32>
        %exp3A_207 = math.exp %sub3A_205 : vector<16xf32>
        %sub3A_208 = arith.subf %sub3A_205, %exp3A_207 : vector<16xf32>
        %mul3A_209 = arith.mulf %sub3A_206, %sub3A_206 : vector<16xf32>
        %neg3A_210 = arith.constant 0.000000e+00 : f32
        %neg3A_211 = vector.broadcast %neg3A_210 : f32 to vector<16xf32>
        %neg3A_212 = arith.subf %neg3A_211, %get3A_204 : vector<16xf32>
        %exp3A_213 = math.exp %neg3A_212 : vector<16xf32>
        %mul3A_214 = arith.mulf %mul3A_209, %exp3A_213 : vector<16xf32>
        %sub3A_215 = arith.subf %sub3A_208, %mul3A_214 : vector<16xf32>
        %add3A_216 = arith.addf %add3A_190, %sub3A_215 : vector<16xf32>
        %add3A_217 = arith.constant 64 : i32
        %add3A_218 = arith.addi %mul3A_116, %add3A_217 : i32
        %get3A_219 = arith.index_cast %add3A_218 : i32 to index
        %get3A_220 = tpu.vector_load %arg12[%get3A_219] {strides = array<i32>} : memref<8192xf32, #tpu.memory_space<vmem>>, vector<16xf32>,
        %get3A_221 = vector.shape_cast %get3A_220 : vector<16xf32> to vector<16xf32>
        %get3A_222 = arith.index_cast %add3A_218 : i32 to index
        %get3A_223 = tpu.vector_load %arg13[%get3A_222] {strides = array<i32>} : memref<8192xf32, #tpu.memory_space<vmem>>, vector<16xf32>,
        %get3A_224 = vector.shape_cast %get3A_223 : vector<16xf32> to vector<16xf32>
        %get3A_225 = arith.index_cast %add3A_218 : i32 to index
        %get3A_226 = tpu.vector_load %arg14[%get3A_225] {strides = array<i32>} : memref<8192xf32, #tpu.memory_space<vmem>>, vector<16xf32>,
        %get3A_227 = vector.shape_cast %get3A_226 : vector<16xf32> to vector<16xf32>
        %get3A_228 = arith.index_cast %add3A_218 : i32 to index
        %get3A_229 = tpu.vector_load %arg15[%get3A_228] {strides = array<i32>} : memref<8192xf32, #tpu.memory_space<vmem>>, vector<16xf32>,
        %get3A_230 = vector.shape_cast %get3A_229 : vector<16xf32> to vector<16xf32>
        %sub3A_231 = arith.subf %get3A_224, %get3A_230 : vector<16xf32>
        %sub3A_232 = arith.subf %get3A_221, %get3A_227 : vector<16xf32>
        %exp3A_233 = math.exp %sub3A_231 : vector<16xf32>
        %sub3A_234 = arith.subf %sub3A_231, %exp3A_233 : vector<16xf32>
        %mul3A_235 = arith.mulf %sub3A_232, %sub3A_232 : vector<16xf32>
        %neg3A_236 = arith.constant 0.000000e+00 : f32
        %neg3A_237 = vector.broadcast %neg3A_236 : f32 to vector<16xf32>
        %neg3A_238 = arith.subf %neg3A_237, %get3A_230 : vector<16xf32>
        %exp3A_239 = math.exp %neg3A_238 : vector<16xf32>
        %mul3A_240 = arith.mulf %mul3A_235, %exp3A_239 : vector<16xf32>
        %sub3A_241 = arith.subf %sub3A_234, %mul3A_240 : vector<16xf32>
        %add3A_242 = arith.addf %add3A_216, %sub3A_241 : vector<16xf32>
        %add3A_243 = arith.constant 80 : i32
        %add3A_244 = arith.addi %mul3A_116, %add3A_243 : i32
        %get3A_245 = arith.index_cast %add3A_244 : i32 to index
        %get3A_246 = tpu.vector_load %arg12[%get3A_245] {strides = array<i32>} : memref<8192xf32, #tpu.memory_space<vmem>>, vector<16xf32>,
        %get3A_247 = vector.shape_cast %get3A_246 : vector<16xf32> to vector<16xf32>
        %get3A_248 = arith.index_cast %add3A_244 : i32 to index
        %get3A_249 = tpu.vector_load %arg13[%get3A_248] {strides = array<i32>} : memref<8192xf32, #tpu.memory_space<vmem>>, vector<16xf32>,
        %get3A_250 = vector.shape_cast %get3A_249 : vector<16xf32> to vector<16xf32>
        %get3A_251 = arith.index_cast %add3A_244 : i32 to index
        %get3A_252 = tpu.vector_load %arg14[%get3A_251] {strides = array<i32>} : memref<8192xf32, #tpu.memory_space<vmem>>, vector<16xf32>,
        %get3A_253 = vector.shape_cast %get3A_252 : vector<16xf32> to vector<16xf32>
        %get3A_254 = arith.index_cast %add3A_244 : i32 to index
        %get3A_255 = tpu.vector_load %arg15[%get3A_254] {strides = array<i32>} : memref<8192xf32, #tpu.memory_space<vmem>>, vector<16xf32>,
        %get3A_256 = vector.shape_cast %get3A_255 : vector<16xf32> to vector<16xf32>
        %sub3A_257 = arith.subf %get3A_250, %get3A_256 : vector<16xf32>
        %sub3A_258 = arith.subf %get3A_247, %get3A_253 : vector<16xf32>
        %exp3A_259 = math.exp %sub3A_257 : vector<16xf32>
        %sub3A_260 = arith.subf %sub3A_257, %exp3A_259 : vector<16xf32>
        %mul3A_261 = arith.mulf %sub3A_258, %sub3A_258 : vector<16xf32>
        %neg3A_262 = arith.constant 0.000000e+00 : f32
        %neg3A_263 = vector.broadcast %neg3A_262 : f32 to vector<16xf32>
        %neg3A_264 = arith.subf %neg3A_263, %get3A_256 : vector<16xf32>
        %exp3A_265 = math.exp %neg3A_264 : vector<16xf32>
        %mul3A_266 = arith.mulf %mul3A_261, %exp3A_265 : vector<16xf32>
        %sub3A_267 = arith.subf %sub3A_260, %mul3A_266 : vector<16xf32>
        %add3A_268 = arith.addf %add3A_242, %sub3A_267 : vector<16xf32>
        %add3A_269 = arith.constant 96 : i32
        %add3A_270 = arith.addi %mul3A_116, %add3A_269 : i32
        %get3A_271 = arith.index_cast %add3A_270 : i32 to index
        %get3A_272 = tpu.vector_load %arg12[%get3A_271] {strides = array<i32>} : memref<8192xf32, #tpu.memory_space<vmem>>, vector<16xf32>,
        %get3A_273 = vector.shape_cast %get3A_272 : vector<16xf32> to vector<16xf32>
        %get3A_274 = arith.index_cast %add3A_270 : i32 to index
        %get3A_275 = tpu.vector_load %arg13[%get3A_274] {strides = array<i32>} : memref<8192xf32, #tpu.memory_space<vmem>>, vector<16xf32>,
        %get3A_276 = vector.shape_cast %get3A_275 : vector<16xf32> to vector<16xf32>
        %get3A_277 = arith.index_cast %add3A_270 : i32 to index
        %get3A_278 = tpu.vector_load %arg14[%get3A_277] {strides = array<i32>} : memref<8192xf32, #tpu.memory_space<vmem>>, vector<16xf32>,
        %get3A_279 = vector.shape_cast %get3A_278 : vector<16xf32> to vector<16xf32>
        %get3A_280 = arith.index_cast %add3A_270 : i32 to index
        %get3A_281 = tpu.vector_load %arg15[%get3A_280] {strides = array<i32>} : memref<8192xf32, #tpu.memory_space<vmem>>, vector<16xf32>,
        %get3A_282 = vector.shape_cast %get3A_281 : vector<16xf32> to vector<16xf32>
        %sub3A_283 = arith.subf %get3A_276, %get3A_282 : vector<16xf32>
        %sub3A_284 = arith.subf %get3A_273, %get3A_279 : vector<16xf32>
        %exp3A_285 = math.exp %sub3A_283 : vector<16xf32>
        %sub3A_286 = arith.subf %sub3A_283, %exp3A_285 : vector<16xf32>
        %mul3A_287 = arith.mulf %sub3A_284, %sub3A_284 : vector<16xf32>
        %neg3A_288 = arith.constant 0.000000e+00 : f32
        %neg3A_289 = vector.broadcast %neg3A_288 : f32 to vector<16xf32>
        %neg3A_290 = arith.subf %neg3A_289, %get3A_282 : vector<16xf32>
        %exp3A_291 = math.exp %neg3A_290 : vector<16xf32>
        %mul3A_292 = arith.mulf %mul3A_287, %exp3A_291 : vector<16xf32>
        %sub3A_293 = arith.subf %sub3A_286, %mul3A_292 : vector<16xf32>
        %add3A_294 = arith.addf %add3A_268, %sub3A_293 : vector<16xf32>
        %add3A_295 = arith.constant 112 : i32
        %add3A_296 = arith.addi %mul3A_116, %add3A_295 : i32
        %get3A_297 = arith.index_cast %add3A_296 : i32 to index
        %get3A_298 = tpu.vector_load %arg12[%get3A_297] {strides = array<i32>} : memref<8192xf32, #tpu.memory_space<vmem>>, vector<16xf32>,
        %get3A_299 = vector.shape_cast %get3A_298 : vector<16xf32> to vector<16xf32>
        %get3A_300 = arith.index_cast %add3A_296 : i32 to index
        %get3A_301 = tpu.vector_load %arg13[%get3A_300] {strides = array<i32>} : memref<8192xf32, #tpu.memory_space<vmem>>, vector<16xf32>,
        %get3A_302 = vector.shape_cast %get3A_301 : vector<16xf32> to vector<16xf32>
        %get3A_303 = arith.index_cast %add3A_296 : i32 to index
        %get3A_304 = tpu.vector_load %arg14[%get3A_303] {strides = array<i32>} : memref<8192xf32, #tpu.memory_space<vmem>>, vector<16xf32>,
        %get3A_305 = vector.shape_cast %get3A_304 : vector<16xf32> to vector<16xf32>
        %get3A_306 = arith.index_cast %add3A_296 : i32 to index
        %get3A_307 = tpu.vector_load %arg15[%get3A_306] {strides = array<i32>} : memref<8192xf32, #tpu.memory_space<vmem>>, vector<16xf32>,
        %get3A_308 = vector.shape_cast %get3A_307 : vector<16xf32> to vector<16xf32>
        %sub3A_309 = arith.subf %get3A_302, %get3A_308 : vector<16xf32>
        %sub3A_310 = arith.subf %get3A_299, %get3A_305 : vector<16xf32>
        %exp3A_311 = math.exp %sub3A_309 : vector<16xf32>
        %sub3A_312 = arith.subf %sub3A_309, %exp3A_311 : vector<16xf32>
        %mul3A_313 = arith.mulf %sub3A_310, %sub3A_310 : vector<16xf32>
        %neg3A_314 = arith.constant 0.000000e+00 : f32
        %neg3A_315 = vector.broadcast %neg3A_314 : f32 to vector<16xf32>
        %neg3A_316 = arith.subf %neg3A_315, %get3A_308 : vector<16xf32>
        %exp3A_317 = math.exp %neg3A_316 : vector<16xf32>
        %mul3A_318 = arith.mulf %mul3A_313, %exp3A_317 : vector<16xf32>
        %sub3A_319 = arith.subf %sub3A_312, %mul3A_318 : vector<16xf32>
        %add3A_320 = arith.addf %add3A_294, %sub3A_319 : vector<16xf32>
        %mul3A_321 = arith.mulf %gather3A_111, %add3A_320 : vector<16xf32>
        %add3A_322 = arith.addf %scan3A_109, %mul3A_321 : vector<16xf32>
        scf.yield %add3A_322 : vector<16xf32>
      }
      %scan3A_107 = arith.constant 16 : i32
      scf.yield %scan3A_106, %add3A_101 : vector<16xf32>, vector<16xf32>
    }
    %scan3A_80 = arith.constant 4 : i32
    %scan3A_81 = arith.constant 1 : i32
    %swap3A = arith.constant 0 : index
    %swap3A_82 = tpu.vector_load %arg17[%swap3A] {strides = array<i32>} : memref<32xf32, #tpu.memory_space<vmem>>, vector<16xf32>,
    %swap3A_83 = vector.shape_cast %swap3A_82 : vector<16xf32> to vector<16xf32>
    %swap3A_84 = vector.shape_cast %scan3A_79#0 : vector<16xf32> to vector<16xf32>
    tpu.vector_store %arg17[%swap3A], %swap3A_84 {strides = array<i32>} : memref<32xf32, #tpu.memory_space<vmem>>, vector<16xf32>,
    %swap3A_85 = arith.constant 16 : index
    %swap3A_86 = tpu.vector_load %arg17[%swap3A_85] {strides = array<i32>} : memref<32xf32, #tpu.memory_space<vmem>>, vector<16xf32>,
    %swap3A_87 = vector.shape_cast %swap3A_86 : vector<16xf32> to vector<16xf32>
    %swap3A_88 = vector.shape_cast %scan3A_79#1 : vector<16xf32> to vector<16xf32>
    tpu.vector_store %arg17[%swap3A_85], %swap3A_88 {strides = array<i32>} : memref<32xf32, #tpu.memory_space<vmem>>, vector<16xf32>,
    "tpu.region"() ({
      %run_scoped3A = tpu.sem_alloc : memref<!tpu.dma_semaphore, #tpu.memory_space<semaphore_mem>>
      %dma_start3A_89 = arith.constant 0 : i32
      %dma_start3A_90 = tpu.memref_slice %arg7[%add3A, %dma_start3A_89] : memref<32x32xf32, #tpu.memory_space<hbm>> -> memref<1x32xf32, #tpu.memory_space<hbm>>
      %dma_start3A_91 = tpu.memref_squeeze %dma_start3A_90 : memref<1x32xf32, #tpu.memory_space<hbm>> -> memref<32xf32, #tpu.memory_space<hbm>>
      %dma_start3A_92 = arith.constant 0 : i32
      %dma_start3A_93 = tpu.memref_slice %arg7[%add3A, %dma_start3A_92] : memref<32x32xf32, #tpu.memory_space<hbm>> -> memref<1x32xf32, #tpu.memory_space<hbm>>
      %dma_start3A_94 = tpu.memref_squeeze %dma_start3A_93 : memref<1x32xf32, #tpu.memory_space<hbm>> -> memref<32xf32, #tpu.memory_space<hbm>>
      tpu.enqueue_dma source(%arg17 : memref<32xf32, #tpu.memory_space<vmem>>) target(%dma_start3A_94 : memref<32xf32, #tpu.memory_space<hbm>>) target_semaphore(%run_scoped3A : memref<!tpu.dma_semaphore, #tpu.memory_space<semaphore_mem>>)
      %dma_wait3A_95 = arith.constant 0 : i32
      %dma_wait3A_96 = tpu.memref_slice %arg7[%add3A, %dma_wait3A_95] : memref<32x32xf32, #tpu.memory_space<hbm>> -> memref<1x32xf32, #tpu.memory_space<hbm>>
      %dma_wait3A_97 = tpu.memref_squeeze %dma_wait3A_96 : memref<1x32xf32, #tpu.memory_space<hbm>> -> memref<32xf32, #tpu.memory_space<hbm>>
      %dma_wait3A_98 = arith.constant 0 : i32
      %dma_wait3A_99 = tpu.memref_slice %arg7[%add3A, %dma_wait3A_98] : memref<32x32xf32, #tpu.memory_space<hbm>> -> memref<1x32xf32, #tpu.memory_space<hbm>>
      %dma_wait3A_100 = tpu.memref_squeeze %dma_wait3A_99 : memref<1x32xf32, #tpu.memory_space<hbm>> -> memref<32xf32, #tpu.memory_space<hbm>>
      tpu.wait_dma2 semaphore(%run_scoped3A : memref<!tpu.dma_semaphore, #tpu.memory_space<semaphore_mem>>) src(%arg17 : memref<32xf32, #tpu.memory_space<vmem>>) dst(%dma_wait3A_100 : memref<32xf32, #tpu.memory_space<hbm>>)
      tpu.yield
    }) : () -> ()
    return
  }
}

module attributes {stable_mosaic.version = 14 : i64} {
  func.func @_tc_body(%arg0: i32, %arg1: memref<3072x128xf32, #tpu.memory_space<vmem>>, %arg2: memref<3072x128xf32, #tpu.memory_space<vmem>>, %arg3: memref<3072x128xf32, #tpu.memory_space<vmem>>, %arg4: memref<3072x128xf32, #tpu.memory_space<vmem>>, %arg5: memref<3072xi32, #tpu.memory_space<vmem>>, %arg6: memref<8x128xf32, #tpu.memory_space<vmem>>, %arg7: memref<8x128xf32, #tpu.memory_space<vmem>>) attributes {dimension_semantics = [#tpu.dimension_semantics<arbitrary>], iteration_bounds = array<i64: 4>, scalar_prefetch = 0 : i64, scratch_operands = 0 : i64, tpu.core_type = #tpu.core_type<tc>, window_params = [{transform_indices = @transform_0, window_bounds = array<i64: 3072, 128>}, {transform_indices = @transform_1, window_bounds = array<i64: 3072, 128>}, {transform_indices = @transform_2, window_bounds = array<i64: 3072, 128>}, {transform_indices = @transform_3, window_bounds = array<i64: 3072, 128>}, {transform_indices = @transform_4, window_bounds = array<i64: 3072>}, {pipeline_mode = #tpu.pipeline_mode<synchronous>, transform_indices = @transform_5, window_bounds = array<i64: 8, 128>}, {pipeline_mode = #tpu.pipeline_mode<synchronous>, transform_indices = @transform_6, window_bounds = array<i64: 8, 128>}]} {
    %eq3A = arith.constant 0 : i32
    %eq3A_0 = arith.cmpi eq, %arg0, %eq3A : i32
    %convert_element_type3A = arith.extui %eq3A_0 : i1 to i32
    %cond3A = arith.constant 0 : i32
    %cond3A_1 = arith.cmpi ne, %convert_element_type3A, %cond3A : i32
    scf.if %cond3A_1 {
      %broadcast_in_dim3A_46 = arith.constant 0.000000e+00 : f32
      %broadcast_in_dim3A_47 = vector.broadcast %broadcast_in_dim3A_46 : f32 to vector<8x128xf32>
      %swap3A_48 = arith.constant 0 : index
      %swap3A_49 = arith.constant 0 : index
      %swap3A_50 = vector.load %arg6[%swap3A_48, %swap3A_49] : memref<8x128xf32, #tpu.memory_space<vmem>>, vector<8x128xf32>
      tpu.vector_store %arg6[%swap3A_48, %swap3A_49], %broadcast_in_dim3A_47 {strides = array<i32>} : memref<8x128xf32, #tpu.memory_space<vmem>>, vector<8x128xf32>,
      %broadcast_in_dim3A_51 = arith.constant 0.000000e+00 : f32
      %broadcast_in_dim3A_52 = vector.broadcast %broadcast_in_dim3A_51 : f32 to vector<8x128xf32>
      %swap3A_53 = arith.constant 0 : index
      %swap3A_54 = arith.constant 0 : index
      %swap3A_55 = vector.load %arg7[%swap3A_53, %swap3A_54] : memref<8x128xf32, #tpu.memory_space<vmem>>, vector<8x128xf32>
      tpu.vector_store %arg7[%swap3A_53, %swap3A_54], %broadcast_in_dim3A_52 {strides = array<i32>} : memref<8x128xf32, #tpu.memory_space<vmem>>, vector<8x128xf32>,
    } else {
    }
    %get3A = arith.constant 0 : index
    %get3A_2 = arith.constant 0 : index
    %get3A_3 = vector.load %arg1[%get3A, %get3A_2] : memref<3072x128xf32, #tpu.memory_space<vmem>>, vector<3072x128xf32>
    %get3A_4 = arith.constant 0 : index
    %get3A_5 = arith.constant 0 : index
    %get3A_6 = vector.load %arg2[%get3A_4, %get3A_5] : memref<3072x128xf32, #tpu.memory_space<vmem>>, vector<3072x128xf32>
    %get3A_7 = arith.constant 0 : index
    %get3A_8 = arith.constant 0 : index
    %get3A_9 = vector.load %arg3[%get3A_7, %get3A_8] : memref<3072x128xf32, #tpu.memory_space<vmem>>, vector<3072x128xf32>
    %get3A_10 = arith.constant 0 : index
    %get3A_11 = arith.constant 0 : index
    %get3A_12 = vector.load %arg4[%get3A_10, %get3A_11] : memref<3072x128xf32, #tpu.memory_space<vmem>>, vector<3072x128xf32>
    %sub3A = arith.subf %get3A_6, %get3A_12 : vector<3072x128xf32>
    %sub3A_13 = arith.subf %get3A_3, %get3A_9 : vector<3072x128xf32>
    %exp3A = math.exp %sub3A : vector<3072x128xf32>
    %sub3A_14 = arith.subf %sub3A, %exp3A : vector<3072x128xf32>
    %mul3A = arith.mulf %sub3A_13, %sub3A_13 : vector<3072x128xf32>
    %neg3A = arith.constant 0.000000e+00 : f32
    %neg3A_15 = vector.broadcast %neg3A : f32 to vector<3072x128xf32>
    %neg3A_16 = arith.subf %neg3A_15, %get3A_12 : vector<3072x128xf32>
    %exp3A_17 = math.exp %neg3A_16 : vector<3072x128xf32>
    %mul3A_18 = arith.mulf %mul3A, %exp3A_17 : vector<3072x128xf32>
    %sub3A_19 = arith.subf %sub3A_14, %mul3A_18 : vector<3072x128xf32>
    %get3A_20 = arith.constant 0 : index
    %get3A_21 = vector.load %arg5[%get3A_20] : memref<3072xi32, #tpu.memory_space<vmem>>, vector<3072xi32>
    %ne3A = arith.constant 4 : i32
    %ne3A_22 = vector.broadcast %ne3A : i32 to vector<3072xi32>
    %ne3A_23 = arith.cmpi ne, %get3A_21, %ne3A_22 : vector<3072xi32>
    %convert_element_type3A_24 = arith.extui %ne3A_23 : vector<3072xi1> to vector<3072xi32>
    %convert_element_type3A_25 = arith.sitofp %convert_element_type3A_24 : vector<3072xi32> to vector<3072xf32>
    %reshape3A = vector.shape_cast %convert_element_type3A_25 : vector<3072xf32> to vector<3072x1xf32>
    %get3A_26 = arith.constant 0 : index
    %get3A_27 = arith.constant 0 : index
    %get3A_28 = vector.load %arg6[%get3A_26, %get3A_27] : memref<8x128xf32, #tpu.memory_space<vmem>>, vector<8x128xf32>
    %mul3A_29 = vector.broadcast %reshape3A : vector<3072x1xf32> to vector<3072x128xf32>
    %mul3A_30 = arith.mulf %sub3A_19, %mul3A_29 : vector<3072x128xf32>
    %reshape3A_31 = vector.shape_cast %mul3A_30 : vector<3072x128xf32> to vector<384x8x128xf32>
    %reduce_sum3A = arith.constant dense<0.000000e+00> : vector<8x128xf32>
    %reduce_sum3A_32 = vector.multi_reduction <add>, %reshape3A_31, %reduce_sum3A [0] : vector<384x8x128xf32> to vector<8x128xf32>
    %add3A = arith.addf %get3A_28, %reduce_sum3A_32 : vector<8x128xf32>
    %swap3A = arith.constant 0 : index
    %swap3A_33 = arith.constant 0 : index
    %swap3A_34 = vector.load %arg6[%swap3A, %swap3A_33] : memref<8x128xf32, #tpu.memory_space<vmem>>, vector<8x128xf32>
    tpu.vector_store %arg6[%swap3A, %swap3A_33], %add3A {strides = array<i32>} : memref<8x128xf32, #tpu.memory_space<vmem>>, vector<8x128xf32>,
    %get3A_35 = arith.constant 0 : index
    %get3A_36 = arith.constant 0 : index
    %get3A_37 = vector.load %arg7[%get3A_35, %get3A_36] : memref<8x128xf32, #tpu.memory_space<vmem>>, vector<8x128xf32>
    %broadcast_in_dim3A = vector.shape_cast %reshape3A : vector<3072x1xf32> to vector<3072x1xf32>
    %broadcast_in_dim3A_38 = vector.broadcast %broadcast_in_dim3A : vector<3072x1xf32> to vector<3072x128xf32>
    %reshape3A_39 = vector.shape_cast %broadcast_in_dim3A_38 : vector<3072x128xf32> to vector<384x8x128xf32>
    %reduce_sum3A_40 = arith.constant dense<0.000000e+00> : vector<8x128xf32>
    %reduce_sum3A_41 = vector.multi_reduction <add>, %reshape3A_39, %reduce_sum3A_40 [0] : vector<384x8x128xf32> to vector<8x128xf32>
    %add3A_42 = arith.addf %get3A_37, %reduce_sum3A_41 : vector<8x128xf32>
    %swap3A_43 = arith.constant 0 : index
    %swap3A_44 = arith.constant 0 : index
    %swap3A_45 = vector.load %arg7[%swap3A_43, %swap3A_44] : memref<8x128xf32, #tpu.memory_space<vmem>>, vector<8x128xf32>
    tpu.vector_store %arg7[%swap3A_43, %swap3A_44], %add3A_42 {strides = array<i32>} : memref<8x128xf32, #tpu.memory_space<vmem>>, vector<8x128xf32>,
    return
  }
  func.func @transform_0(%arg0: i32) -> (i32, i32) {
    %c0_i32 = arith.constant 0 : i32
    %c0_i32_0 = arith.constant 0 : i32
    return %arg0, %c0_i32 : i32, i32
  }
  func.func @transform_1(%arg0: i32) -> (i32, i32) {
    %c0_i32 = arith.constant 0 : i32
    %c0_i32_0 = arith.constant 0 : i32
    return %arg0, %c0_i32 : i32, i32
  }
  func.func @transform_2(%arg0: i32) -> (i32, i32) {
    %c0_i32 = arith.constant 0 : i32
    %c0_i32_0 = arith.constant 0 : i32
    return %arg0, %c0_i32 : i32, i32
  }
  func.func @transform_3(%arg0: i32) -> (i32, i32) {
    %c0_i32 = arith.constant 0 : i32
    %c0_i32_0 = arith.constant 0 : i32
    return %arg0, %c0_i32 : i32, i32
  }
  func.func @transform_4(%arg0: i32) -> i32 {
    %c0_i32 = arith.constant 0 : i32
    return %arg0 : i32
  }
  func.func @transform_5(%arg0: i32) -> (i32, i32) {
    %c0_i32 = arith.constant 0 : i32
    %c0_i32_0 = arith.constant 0 : i32
    %c0_i32_1 = arith.constant 0 : i32
    return %c0_i32, %c0_i32_0 : i32, i32
  }
  func.func @transform_6(%arg0: i32) -> (i32, i32) {
    %c0_i32 = arith.constant 0 : i32
    %c0_i32_0 = arith.constant 0 : i32
    %c0_i32_1 = arith.constant 0 : i32
    return %c0_i32, %c0_i32_0 : i32, i32
  }
}

</mosaic_0001>

<sc_bundles>
// kernel: _run.4.cloned.1.call-start
scs
__scs_entry_jumppad:
0x0: {  	(pc) =	sbr.rel $0x88, $3  }
0x1: {  	(tag) =	ssettag $0x0;
	lr =	simm.s32 $0x1  }
0x2: {  	[smem:$0x3F9C] =	sst lr;
	_ =	strace $0xD0000000  }
0x3: {  	_ = 	snop  }
0x4: {  	_ = 	snop  }
0x5: {  	_ = 	snop  }
0x6: {  	_ = 	snop  }
0x7: {  	_ = 	snop  }
__scs_overlays_trampoline_lowered:
0x8: {  	[smem:$0x3FAB] =	sst s0  }
0x9: {  	[smem:$0x3FAC] =	sst s1  }
0xa: {  	[smem:$0x3FAD] =	sst s2  }
0xb: {  	[smem:$0x3FAE] =	sst s3  }
0xc: {  	[smem:$0x3FAF] =	sst s4  }
0xd: {  	[smem:$0x3FB0] =	sst s5  }
0xe: {  	[smem:$0x3FB1] =	sst s6  }
0xf: {  	[smem:$0x3FB2] =	sst s7  }
0x10: {  	[smem:$0x3FB3] =	sst s8  }
0x11: {  	[smem:$0x3FB4] =	sst s9;
	s0 =	simm.s32 @!p0 $0x0  }
0x12: {  	s1 =	sld [smem:$0x3F9A];
	s0 =	simm.s32 @p0 $0x1  }
0x13: {  	[smem:$0x3FB5] =	sst s0;
	s0 =	simm.s32 @!p1 $0x0  }
0x14: {  	s2 =	sld [smem:$0x3F99];
	s0 =	simm.s32 @p1 $0x1  }
0x15: {  	[smem:$0x3FB6] =	sst s0;
	s0 =	simm.s32 @!p2 $0x0  }
0x16: {  	s3 =	sld [smem:$0x3FDB];
	s0 =	simm.s32 @p2 $0x1  }
0x17: {  	s4 =	simm.s32 $0x1BF5;
	[smem:$0x3FB8] =	sst s0  }
0x18: {  	s0 =	sld [smem:$0x3F9B];
	_ =	swait.ge [sflag:s4], $0x0  }
0x19: {  	s7 =	sld [smem:$0x3F9C]  }
0x1a: {  	s8 =	sadd.s32 $0xFFFFE003, lr  }
0x1b: {  	s9 =	sadd.s32 $0xFFFFFEF7, lr;
	s5 =	simm.s32 $0xFFFFFFFF;
	p2 =	slt.u32 s8, $0xFFFFF086  }
0x1c: {  	p1 =	slt.u32 s9, $0xF7A;
	s5 =	simm.s32 @!p2 $0x0  }
0x1d: {  	s5 =	simm.s32 @p1 $0x1;
	p0 =	seq.s32 s7, s2  }
0x1e: {  	s7 =	smul.u32 @!p0 $0xF7A, s2;
	p2 =	seq.s32 @!p0 s5, $0x0  }
0x1f: {  	s9 =	smul.u32 $0xF7A, s1;
	s8 =	simm.s32 @!p0 $0x1BF5;
	p2 =	por !p2, p0  }
0x20: {  	[sflag:s8] =	ssyncset.s32 @!p0 $0xFFFFF086;
	s6 =	sadd.s32 @!p0 s3, s7;
	s7 =	simm.s32 @!p0 $0x108  }
0x21: {  	s3 =	sadd.s32 s3, s9;
	s6 =	sadd.s32 @!p0 $0x88, s6;
	s7 =	simm.s32 @p2 $0x1082  }
0x22: {  	[simem:s7], [sflag:s8] =	dma.local @!p0 [hbm:s6], $0xF7A  }
0x23: {  	s9 =	sor.u32 $0xD0000000, s2;
	s6 =	simm.s32 $0x108;
	_ =	swait.ge @!p0 [sflag:s8], $0x0  }
0x24: {  	s3 =	sadd.s32 $0x88, s3;
	s6 =	simm.s32 @!p1 $0x1082;
	[sflag:s4] =	ssyncset.s32 $0xFFFFF086  }
0x25: {  	[simem:s6], [sflag:s4] =	dma.local [hbm:s3], $0xF7A  }
0x26: {  	[smem:$0x3F9C] =	sst s1;
	(tag) =	ssettag s2;
	_ =	strace s9  }
0x27: {  	s1 =	sld [smem:$0x3FAC]  }
0x28: {  	s2 =	sld [smem:$0x3FAD]  }
0x29: {  	s4 =	sld [smem:$0x3FAF]  }
0x2a: {  	p0 =	seq.s32 s5, $0x0;
	s5 =	sld [smem:$0x3FB0]  }
0x2b: {  	s6 =	sld [smem:$0x3FB1]  }
0x2c: {  	s7 =	sld [smem:$0x3FB2]  }
0x2d: {  	s3 =	simm.s32 $0x108;
	s8 =	sld [smem:$0x3FB3]  }
0x2e: {  	s3 =	simm.s32 @!p0 $0x1082;
	s9 =	sld [smem:$0x3FB4]  }
0x2f: {  	lr =	sadd.s32 s0, s3;
	s0 =	sld [smem:$0x3FAB]  }
0x30: {  	s3 =	sld [smem:$0x3FAE]  }
0x31: {  	[smem:$0x3FB7] =	sst s10  }
0x32: {  	s10 =	sld [smem:$0x3FB5];
	_ =	sdelay $0x3  }
0x33: {  	p0 =	seq.s32 s10, $0x1;
	s10 =	sld [smem:$0x3FB7];
	_ =	sdelay $0x3  }
0x34: {  	[smem:$0x3FB7] =	sst s10  }
0x35: {  	s10 =	sld [smem:$0x3FB6];
	_ =	sdelay $0x3  }
0x36: {  	p1 =	seq.s32 s10, $0x1;
	s10 =	sld [smem:$0x3FB7];
	_ =	sdelay $0x3  }
0x37: {  	[smem:$0x3FB7] =	sst s10  }
0x38: {  	s10 =	sld [smem:$0x3FB8]  }
0x39: {  	_ = 	snop;
	(pc) =	sbr.ind lr, $3  }
0x3a: {  	_ = 	snop  }
0x3b: {  	_ = 	snop  }
0x3c: {  	p2 =	seq.s32 s10, $0x1;
	s10 =	sld [smem:$0x3FB7]  }
0x3d: {  	_ =	shalt  }
0x3e: {  	_ =	shalt  }
0x3f: {  	_ =	shalt  }
0x40: {  	_ =	shalt  }
0x41: {  	_ =	shalt  }
0x42: {  	_ =	shalt  }
0x43: {  	_ =	shalt  }
0x44: {  	_ =	shalt  }
0x45: {  	_ =	shalt  }
0x46: {  	_ =	shalt  }
0x47: {  	_ =	shalt  }
0x48: {  	_ =	shalt  }
0x49: {  	_ =	shalt  }
0x4a: {  	_ =	shalt  }
0x4b: {  	_ =	shalt  }
0x4c: {  	_ =	shalt  }
0x4d: {  	_ =	shalt  }
0x4e: {  	_ =	shalt  }
0x4f: {  	_ =	shalt  }
0x50: {  	_ =	shalt  }
0x51: {  	_ =	shalt  }
0x52: {  	_ =	shalt  }
0x53: {  	_ =	shalt  }
0x54: {  	_ =	shalt  }
0x55: {  	_ =	shalt  }
0x56: {  	_ =	shalt  }
0x57: {  	_ =	shalt  }
0x58: {  	_ =	shalt  }
0x59: {  	_ =	shalt  }
0x5a: {  	_ =	shalt  }
0x5b: {  	_ =	shalt  }
0x5c: {  	_ =	shalt  }
0x5d: {  	_ =	shalt  }
0x5e: {  	_ =	shalt  }
0x5f: {  	_ =	shalt  }
0x60: {  	_ =	shalt  }
0x61: {  	_ =	shalt  }
0x62: {  	_ =	shalt  }
0x63: {  	_ =	shalt  }
0x64: {  	_ =	shalt  }
0x65: {  	_ =	shalt  }
0x66: {  	_ =	shalt  }
0x67: {  	_ =	shalt  }
0x68: {  	_ =	shalt  }
0x69: {  	_ =	shalt  }
0x6a: {  	_ =	shalt  }
0x6b: {  	_ =	shalt  }
0x6c: {  	_ =	shalt  }
0x6d: {  	_ =	shalt  }
0x6e: {  	_ =	shalt  }
0x6f: {  	_ =	shalt  }
0x70: {  	_ =	shalt  }
0x71: {  	_ =	shalt  }
0x72: {  	_ =	shalt  }
0x73: {  	_ =	shalt  }
0x74: {  	_ =	shalt  }
0x75: {  	_ =	shalt  }
0x76: {  	_ =	shalt  }
0x77: {  	_ =	shalt  }
0x78: {  	_ =	shalt  }
0x79: {  	_ =	shalt  }
0x7a: {  	_ =	shalt  }
0x7b: {  	_ =	shalt  }
0x7c: {  	_ =	shalt  }
0x7d: {  	_ =	shalt  }
0x7e: {  	_ =	shalt  }
0x7f: {  	_ =	shalt  }
0x80: {  	_ =	shalt  }
0x81: {  	_ =	shalt  }
0x82: {  	_ =	shalt  }
0x83: {  	_ =	shalt  }
0x84: {  	_ =	shalt  }
0x85: {  	_ =	shalt  }
0x86: {  	_ =	shalt  }
0x87: {  	_ =	shalt  }
.Lfunc_end0:
.L_simem_size_0:
called_computation_lowered:
.L_overlay_start_0:
0x88: {  	s2 =	sld [smem:$0x3FD9]  }
0x89: {  	s3 =	sld [smem:$0x3FFE];
	_ =	sdelay $0x1  }
0x8a: {  	s1 =	srdreg.scid  }
0x8b: {  	s0 =	sand.u32 $0x1, s1  }
0x8c: {  	s17 =	sshll.u32 s0, $0xA;
	s2 =	sadd.s32 s3, s2  }
0x8d: {  	s2 =	sadd.s32 s2, s17  }
0x8e: {  	[smem:$0x3FC3] =	sst s2  }
0x8f: {  	_ = 	snop  }
0x90: {  	s2 =	sld [smem:$0x3FC9]  }
0x91: {  	s18 =	sld [smem:$0x3FC8]  }
0x92: {  	s4 =	sld [smem:$0x3FC7]  }
0x93: {  	s5 =	sld [smem:$0x3FC6]  }
0x94: {  	s6 =	sld [smem:$0x3FC5];
	(tm) =	ssettm $0x1  }
0x95: {  	s7 =	sld [smem:$0x3FFB];
	_ =	sdelay $0x3  }
0x96: {  	_ =	strace s7  }
0x97: {  	s7 =	sld [smem:$0x3FFC];
	_ =	sdelay $0x3  }
0x98: {  	_ =	strace s7  }
0x99: {  	s7 =	sld [smem:$0x3FFD];
	_ =	sdelay $0x3  }
0x9a: {  	_ =	strace s7  }
0x9b: {  	_ =	strace $0x8FFFFFFF  }
0x9c: {  	s19 =	sld [smem:$0x3FDB];
	_ =	sdelay $0x1  }
0x9d: {  	s8 =	simm.s32 $_scs_section_size  }
0x9e: {  	s9 =	simm.s32 $_size__tile_overlayer_lowered;
	s10 =	simm.s32 $_tile_overlayer_lowered  }
0x9f: {  	s22 =	simm.s32 $0x1BFF;
	s21 =	sshll.u32 s10, $0x1;
	s7 =	sadd.s32 s8, s19  }
0xa0: {  	s11 =	simm.s32 $0x0;
	s20 =	sshll.u32 s9, $0x1;
	s9 =	sadd.s32 s21, s7  }
0xa1: {  	[timem:s11], [sflag:s22] =	dma.local [hbm:s9], s20  }
0xa2: {  	_ =	swait.ge [sflag:s22], s20  }
0xa3: {  	s8 =	ssub.s32 $0x0, s20;
	[sflag:s22] =	ssyncset.done $0x0  }
0xa4: {  	[sflag:s22] =	ssyncadd.s32 s8;
	_ =	sdelay $0x1  }
0xa5: {  	s23 =	simm.s32 $0x1B8B  }
0xa6: {  	_ =	swait.ge [sflag:s23], $0x1  }
0xa7: {  	[sflag:s23] =	ssyncset.done $0x0  }
0xa8: {  	s25 =	simm.s32 $0x1B8E;
	s24 =	sld [smem:$0x3FFE];
	[sflag:s23] =	ssyncadd.s32 $0xFFFFFFFF  }
0xa9: {  	s26 =	simm.s32 $execute0_lowered;
	[smem:$0x3FD2] =	sst s25  }
0xaa: {  	s9 =	sshll.u32 s26, $0x1;
	_ =	strace $0x80000046;
	[dreg:$0x1] =	wrdreg $0xFFFFFFFF  }
0xab: {  	s28 =	simm.s32 $_size_execute0_lowered;
	s7 =	sadd.s32 s7, s9;
	[dreg:$0x0] =	wrdreg $0x0  }
0xac: {  	s9 =	sshll.u32 s28, $0x1;
	[dreg:$0x2] =	wrdreg s7  }
0xad: {  	[dreg:$0x3] =	wrdreg s9  }
0xae: {  	[dreg:$0x4] =	wrdreg $0xC0  }
0xaf: {  	_ =	task [dreg:s11], $0x5FFFF  }
0xb0: {  	[dreg:$0x1] =	wrdreg $0xFFFFFFFF  }
0xb1: {  	[dreg:$0x0] =	wrdreg $0x60  }
0xb2: {  	[dreg:$0x2] =	wrdreg s2  }
0xb3: {  	[dreg:$0x3] =	wrdreg s18  }
0xb4: {  	[dreg:$0x4] =	wrdreg s4  }
0xb5: {  	[dreg:$0x5] =	wrdreg s5  }
0xb6: {  	[dreg:$0x6] =	wrdreg s6  }
0xb7: {  	[dreg:$0x7] =	wrdreg s24  }
0xb8: {  	[dreg:$0x8] =	wrdreg $0x9  }
0xb9: {  	_ =	task.clear_ibuf [dreg:s11], $0x9FFFF;
	_ =	strace $0x90000046  }
0xba: {  	s29 =	simm.s32 $0x9;
	_ =	strace $0x80000048  }
0xbb: {  	_ =	swait.ge [sflag:s29], $0x1  }
0xbc: {  	[sflag:s29] =	ssyncadd.s32 $0xFFFFFFFF  }
0xbd: {  	_ =	strace $0x90000048  }
0xbe: {  	_ =	sfence  }
0xbf: {  	s30 =	sld [smem:$0x0];
	_ =	sdelay $0x2  }
0xc0: {  	s31 =	sshll.u32 s1, $0xD;
	s1 =	sshrl.u32 s1, $0x2  }
0xc1: {  	s3 =	sand.u32 $0x4000, s31;
	s1 =	sadd.s32 s1, s30  }
0xc2: {  	s0 =	sor.u32 s3, s0;
	s1 =	sshll.u32 s1, $0x11  }
0xc3: {  	s0 =	sor.u32 s1, s0  }
0xc4: {  	s0 =	sadd.s32 $0x8F2B, s0  }
0xc5: {  	[sflag:s0] =	ssyncadd.remote.s32 $0x1  }
0xc6: {  	_ =	sfence.sel $0xFFFF  }
0xc7: {  	[dreg:$0x0] =	wrdreg $0xFFFFFFFF;
	(pc) =	sbr.abs _section_cstart, $3  }
0xc8: {  	[dreg:$0x1] =	wrdreg $0xFFFFFFFF  }
0xc9: {  	_ =	task.clear_ibuf [dreg:s11], $0x2FFFF;
	_ =	strace $0x9FFFFFFF  }
0xca: {  	(tm) =	ssettm $0x7FFFFFFF  }
0xcb: {  	_ =	shalt  }
tec
execute0_lowered:
.L_overlay_start_1:
0x0: {  	(tag) =	ssettag $0x1  }
0x1: {  	s0 =	rddreg [dreg:$0x0]  }
0x2: {  	s1 =	rddreg [dreg:$0x1]  }
0x3: {  	s10 =	rddreg [dreg:$0x2]  }
0x4: {  	s11 =	rddreg [dreg:$0x3]  }
0x5: {  	s3 =	rddreg [dreg:$0x4];
	s2 =	srdreg.scid  }
0x6: {  	s5 =	stileid.u32;
	s12 =	rddreg [dreg:$0x5]  }
0x7: {  	s19 =	simm.s32 $0x1;
	s23 =	simm.s32 $0xE000;
	s24 =	simm.s32 $0x2  }
0x8: {  	s25 =	simm.s32 $0x10080;
	s4 =	sand.u32 $0x1, s2;
	s5 =	sshll.u32 s5, $0x1  }
0x9: {  	s26 =	simm.s32 $0x0;
	s2 =	simm.s32 $0x0;
	s13 =	sor.u32 s4, s5  }
0xa: {  	[smem:$0x7FF] =	sst s2;
	s4 =	ssub.s32 $0x2, s4;
	s5 =	sshll.u32 s13, $0x7  }
0xb: {  	_ =	strace $0x80000047;
	s6 =	sshrl.u32 s4, $0x1;
	s8 =	sshll.u32 s13, $0xB  }
0xc: {  	s31 =	sshll.u32 s13, $0x4;
	s5 =	sor.u32 $0x3000, s5;
	s14 =	ssub.s32 s4, s6  }
0xd: {  	s15 =	sor.u32 $0x30400, s8;
	s12 =	sadd.s32 s12, s31;
	s30 =	sshrl.u32 s5, $0x3  }
0xe: {  	s7 =	sshll.u32 s5, $0x4;
	s8 =	sadd.s32 s0, s15;
	s9 =	sadd.s32 s1, s15  }
0xf: {  	s13 =	smax.u32 s14, $0x1;
	s3 =	sadd.s32 s3, s30;
	s4 =	sadd.s32 s0, s7  }
0x10: {  	s5 =	sadd.s32 s1, s7;
	s6 =	sadd.s32 s10, s7;
	s7 =	sadd.s32 s11, s7  }
0x11: {  	v0 =	vimm.f32 $1.000000000e+00;
	s10 =	sadd.s32 s10, s15;
	s11 =	sadd.s32 s11, s15;
	s15 =	simm.s32 $0x3  }
.LBB2_1:
0x12: {  	s0 =	simm.s32 $0x10000  }
0x13: {  	[tilespmem:s0], [sflag:$0x3] =	stream.linear.gather [hbm4b:s3+s2], $0x80, $0x38;
	[tilespmem:$0x10100] =	vst v63  }
0x14: {  	_ =	swait.ge [sflag:s15], $0x80  }
0x15: {  	[sflag:s15] =	ssyncset.done $0x0  }
0x16: {  	[sflag:s15] =	ssyncadd.s32 $0xFFFFFF80  }
0x17: {  	[tilespmem:s2], [sflag:$0x1] =	stream.linear.gather [hbm4b:s4+s2], $0x2000, $0x38;
	[tilespmem:$0x10100] =	vst v63  }
0x18: {  	s16 =	simm.s32 $0x2000  }
0x19: {  	[tilespmem:s16], [sflag:$0x1] =	stream.linear.gather [hbm4b:s5+s2], $0x2000, $0x38;
	[tilespmem:$0x10100] =	vst v63  }
0x1a: {  	s17 =	simm.s32 $0x4000  }
0x1b: {  	[tilespmem:s17], [sflag:$0x1] =	stream.linear.gather [hbm4b:s6+s2], $0x2000, $0x38;
	[tilespmem:$0x10100] =	vst v63  }
0x1c: {  	s18 =	simm.s32 $0x6000  }
0x1d: {  	[tilespmem:s18], [sflag:$0x1] =	stream.linear.gather [hbm4b:s7+s2], $0x2000, $0x38;
	[tilespmem:$0x10100] =	vst v63  }
0x1e: {  	_ =	swait.ge [sflag:s19], $0x2000  }
0x1f: {  	[sflag:s19] =	ssyncset.done $0x0  }
0x20: {  	[sflag:s19] =	ssyncadd.s32 $0xFFFFE000  }
0x21: {  	_ =	swait.ge [sflag:s19], $0x2000  }
0x22: {  	[sflag:s19] =	ssyncset.done $0x0  }
0x23: {  	[sflag:s19] =	ssyncadd.s32 $0xFFFFE000  }
0x24: {  	_ =	swait.ge [sflag:s19], $0x2000  }
0x25: {  	[sflag:s19] =	ssyncset.done $0x0  }
0x26: {  	[sflag:s19] =	ssyncadd.s32 $0xFFFFE000  }
0x27: {  	_ =	swait.ge [sflag:s19], $0x2000  }
0x28: {  	[sflag:s19] =	ssyncset.done $0x0  }
0x29: {  	s20 =	simm.s32 $0x8000;
	[sflag:s19] =	ssyncadd.s32 $0xFFFFE000  }
0x2a: {  	[tilespmem:s20], [sflag:$0x2] =	stream.linear.gather [hbm4b:s8+s2], $0x2000, $0x38;
	[tilespmem:$0x10100] =	vst v63  }
0x2b: {  	s21 =	simm.s32 $0xA000  }
0x2c: {  	[tilespmem:s21], [sflag:$0x2] =	stream.linear.gather [hbm4b:s9+s2], $0x2000, $0x38;
	[tilespmem:$0x10100] =	vst v63  }
0x2d: {  	s22 =	simm.s32 $0xC000;
	s28 =	simm.s32 $0x40;
	s29 =	simm.s32 $0x2040  }
0x2e: {  	[tilespmem:s22], [sflag:$0x2] =	stream.linear.gather [hbm4b:s10+s2], $0x2000, $0x38;
	[tilespmem:$0x10100] =	vst v63  }
0x2f: {  	s30 =	simm.s32 $0x4040;
	s31 =	simm.s32 $0x6040;
	s1 =	simm.s32 $0x0  }
0x30: {  	v1 =	vimm.f32 $0.0e+00;
	v2 =	vimm.f32 $0.0e+00;
	[tilespmem:s23], [sflag:$0x2] =	stream.linear.gather [hbm4b:s11+s2], $0x2000, $0x38;
	[tilespmem:$0x10100] =	vst v63  }
.LBB2_2:
0x31: {  	v4 =	vld [tilespmem:s29+$0x10]  }
0x32: {  	v6 =	vld [tilespmem:s30+$0xFFFFFFE0]  }
0x33: {  	v7 =	vld [tilespmem:s30+$0xFFFFFFC0]  }
0x34: {  	v5 =	vld [tilespmem:s31+$0xFFFFFFD0]  }
0x35: {  	v8 =	vld [tilespmem:s29+$0xFFFFFFD0]  }
0x36: {  	v9 =	vld [tilespmem:s31+$0xFFFFFFC0]  }
0x37: {  	v10 =	vld [tilespmem:s29+$0xFFFFFFC0]  }
0x38: {  	v11 =	vld [tilespmem:s31+$0xFFFFFFE0]  }
0x39: {  	v12 =	vld [tilespmem:s29+$0xFFFFFFE0]  }
0x3a: {  	v14 =	vld [tilespmem:s30+$0xFFFFFFD0]  }
0x3b: {  	v15 =	vld [tilespmem:s31+$0xFFFFFFF0]  }
0x3c: {  	v16 =	vld [tilespmem:s29+$0xFFFFFFF0]  }
0x3d: {  	v18 =	vld [tilespmem:s31+$0x0]  }
0x3e: {  	v24 =	vld [tilespmem:s30+$0x30];
	v13 =	vsub.f32 $0.0e+00, v5  }
0x3f: {  	v29 =	vld [tilespmem:s30+$0x20];
	v17 =	vsub.f32 $0.0e+00, v9  }
0x40: {  	v19 =	vsub.f32 v8, v5;
	v5 =	vld [tilespmem:s29+$0x0];
	v13 =	vmul.f32 $1.442695020e+00, v13  }
0x41: {  	v21 =	vsub.f32 $0.0e+00, v15;
	v15 =	vsub.f32 v16, v15;
	v16 =	vld [tilespmem:s28+$0xFFFFFFE0];
	v8 =	vmul.f32 $1.442695020e+00, v17  }
0x42: {  	v9 =	vsub.f32 v10, v9;
	v20 =	vsub.f32 $0.0e+00, v11;
	v17 =	vld [tilespmem:s28+$0xFFFFFFC0];
	(erf) = vpow2.f32 v13  }
0x43: {  	v11 =	vsub.f32 v12, v11;
	v10 =	vmul.f32 $1.442695020e+00, v19;
	v13 =	vld [tilespmem:s28+$0xFFFFFFD0];
	(erf) = vpow2.f32 v8  }
0x44: {  	s0 =	sshll.u32 s1, $0x4;
	v31 =	vld [tilespmem:s28+$0x20];
	v12 =	vmul.f32 $1.442695020e+00, v9;
	v20 =	vmul.f32 $1.442695020e+00, v20  }
0x45: {  	v3 =	vld [tilespmem:s0+$0x10000];
	v23 =	vsub.f32 $0.0e+00, v18;
	v22 =	vmul.f32 $1.442695020e+00, v11;
	v21 =	vmul.f32 $1.442695020e+00, v21  }
0x46: {  	v25 =	vmul.f32 $1.442695020e+00, v15;
	v8 =	vld [tilespmem:s31+$0x10];
	v5 =	vsub.f32 v5, v18;
	(erf) = vpow2.f32 v12  }
0x47: {  	v6 =	vsub.f32 v16, v6;
	v16 =	vld [tilespmem:s30+$0xFFFFFFF0];
	v7 =	vsub.f32 v17, v7;
	(erf) = vpow2.f32 v10  }
0x48: {  	v18 =	vmul.f32 $1.442695020e+00, v23;
	v17 =	vld [tilespmem:s31+$0x20];
	(erf) = vpow2.f32 v22;
	v13 =	vsub.f32 v13, v14  }
0x49: {  	v14 =	vld [tilespmem:s29+$0x20];
	v7 =	vmul.f32 v7, v7;
	(erf) = vpow2.f32 v25  }
0x4a: {  	vm0 =	veq.s32 v3, $0x4;
	v22 =	vld [tilespmem:s30+$0x10];
	(erf) = vpow2.f32 v21;
	v13 =	vmul.f32 v13, v13  }
0x4b: {  	v28 =	vsub.f32 v4, v8;
	v4 =	vld [tilespmem:s28+$0xFFFFFFF0];
	v3 =	vsub.f32 $0.0e+00, v8;
	(erf) = vpow2.f32 v18;
	v12 =	vpop (erf)  }
0x4c: {  	v29 =	vsub.f32 v31, v29;
	(erf) = vpow2.f32 v20;
	v20 =	vld [tilespmem:s28+$0x10];
	v13 =	vmul.f32 v12, v13;
	v8 =	vpop (erf)  }
0x4d: {  	v12 =	vld [tilespmem:s31+$0x30];
	v7 =	vmul.f32 v8, v7;
	v8 =	vmul.f32 $1.442695020e+00, v3  }
0x4e: {  	v33 =	vmul.f32 v29, v29;
	v10 =	vmul.f32 $1.442695020e+00, v28;
	v25 =	vsub.f32 v14, v17;
	v14 =	vld [tilespmem:s29+$0x30]  }
0x4f: {  	v23 =	vld [tilespmem:s30+$0x0];
	v26 =	vmul.f32 $1.442695020e+00, v5;
	v27 =	vmul.f32 v6, v6;
	v17 =	vsub.f32 $0.0e+00, v17  }
0x50: {  	s22 =	simm.s32 $0x0;
	v21 =	vld [tilespmem:s28+$0x30];
	v3 =	vsel vm0, $0x0, v0;
	v16 =	vsub.f32 v4, v16;
	v18 =	vmul.f32 $1.442695020e+00, v25  }
0x51: {  	v6 =	vld [tilespmem:s28+$0x0];
	v4 =	vmov s22;
	v17 =	vmul.f32 $1.442695020e+00, v17;
	(erf) = vpow2.f32 v8;
	v8 =	vpop (erf)  }
0x52: {  	s16 =	sadd.s32 $0x80, s29;
	v20 =	vsub.f32 v20, v22;
	v30 =	vsub.f32 $0.0e+00, v12;
	(erf) = vpow2.f32 v10;
	v10 =	vpop (erf)  }
0x53: {  	s17 =	sadd.s32 $0x80, s31;
	v32 =	vld [tilespmem:s16+$0xFFFFFFC0];
	v12 =	vsub.f32 v14, v12;
	(erf) = vpow2.f32 v18;
	v18 =	vsub.f32 v19, v10  }
0x54: {  	v31 =	vld [tilespmem:s17+$0xFFFFFFC0];
	v9 =	vsub.f32 v9, v8;
	v14 =	vpop (erf);
	v19 =	vmul.f32 $1.442695020e+00, v30;
	(erf) = vpow2.f32 v17  }
0x55: {  	v17 =	vpop (erf);
	(erf) = vpow2.f32 v26;
	v26 =	vld [tilespmem:s17+$0xFFFFFFD0];
	v18 =	vsub.f32 v18, v13;
	v13 =	vsub.f32 v21, v24  }
0x56: {  	s0 =	sadd.s32 $0x80, s30;
	v23 =	vsub.f32 v6, v23;
	v4 =	vperm.xlane v3, v4;
	v22 =	vmul.f32 $1.442695020e+00, v12;
	v24 =	vld [tilespmem:s16+$0xFFFFFFD0]  }
0x57: {  	v6 =	vld [tilespmem:s0+$0xFFFFFFE0];
	v29 =	vmul.f32 v20, v20;
	v7 =	vsub.f32 v9, v7;
	v21 =	vpop (erf);
	(erf) = vpow2.f32 v19  }
0x58: {  	v20 =	vld [tilespmem:s16+$0xFFFFFFE0];
	v11 =	vsub.f32 v11, v14;
	v14 =	vmul.f32 v23, v23;
	v30 =	vpop (erf);
	(erf) = vpow2.f32 v22  }
0x59: {  	v16 =	vmul.f32 v16, v16;
	v8 =	vld [tilespmem:s16+$0x10];
	v19 =	vsub.f32 v15, v17;
	v9 =	vmul.f32 v13, v13;
	v13 =	vpop (erf)  }
0x5a: {  	v10 =	vld [tilespmem:s0+$0xFFFFFFC0];
	v17 =	vadd.f32 v18, v7;
	v14 =	vmul.f32 v30, v14;
	v22 =	vmul.f32 v13, v27;
	v23 =	vpop (erf)  }
0x5b: {  	v34 =	vsub.f32 $0.0e+00, v26;
	v13 =	vld [tilespmem:s17+$0xFFFFFFE0];
	v27 =	vmul.f32 v21, v16;
	v7 =	vsub.f32 v24, v26;
	v30 =	vpop (erf)  }
0x5c: {  	v15 =	vld [tilespmem:s0+$0xFFFFFFD0];
	v18 =	vsub.f32 v11, v22;
	v11 =	vpop (erf);
	v21 =	vsub.f32 v28, v30;
	v22 =	vmul.f32 v23, v29  }
0x5d: {  	v24 =	vld [tilespmem:s17+$0xFFFFFFF0];
	v29 =	vsub.f32 $0.0e+00, v31;
	v28 =	vmul.f32 $1.442695020e+00, v34;
	v23 =	vsub.f32 v25, v11;
	v25 =	vpop (erf)  }
0x5e: {  	s14 =	simm.s32 $0x1;
	s20 =	simm.s32 $0x2;
	s18 =	smov.u32 s28;
	v26 =	vld [tilespmem:s16+$0xFFFFFFF0];
	v16 =	vmul.f32 $1.442695020e+00, v7;
	v11 =	vsub.f32 v32, v31;
	v25 =	vmul.f32 v25, v33;
	v30 =	vpop (erf)  }
.LBB2_3:
0x5f: {  	p0 =	sne.s32 s20, $0xF  }
0x60: {  	v29 =	vmul.f32 $1.442695020e+00, v29;
	v31 =	vsub.f32 $0.0e+00, v13;
	v32 =	vld [tilespmem:s17+$0x0];
	v19 =	vsub.f32 v19, v27;
	s18 =	sadd.s32 $0x80, s18;
	v27 =	vpop (erf);
	s21 =	smov.u32 s20;
	s20 =	sadd.s32 $0x1, s20  }
0x61: {  	v5 =	vsub.f32 v5, v30;
	v33 =	vmul.f32 $1.442695020e+00, v11;
	v34 =	vld [tilespmem:s16+$0x0];
	(erf) = vpow2.f32 v28;
	v28 =	vpop (erf)  }
0x62: {  	v17 =	vadd.f32 v18, v17;
	v13 =	vsub.f32 v20, v13;
	v30 =	vld [tilespmem:s18+$0xFFFFFFD0];
	v20 =	vmul.f32 $1.442695020e+00, v31  }
0x63: {  	v21 =	vsub.f32 v21, v22;
	v18 =	vld [tilespmem:s18+$0xFFFFFFC0];
	v31 =	vsub.f32 $0.0e+00, v24;
	(erf) = vpow2.f32 v29  }
0x64: {  	v23 =	vsub.f32 v23, v25;
	v22 =	vmul.f32 $1.442695020e+00, v13;
	v24 =	vsub.f32 v26, v24;
	v26 =	vld [tilespmem:s17+$0x10]  }
0x65: {  	v14 =	vsub.f32 v5, v14;
	v25 =	vld [tilespmem:s18+$0xFFFFFFE0];
	v29 =	vmul.f32 $1.442695020e+00, v31;
	v31 =	vsub.f32 $0.0e+00, v32  }
0x66: {  	v12 =	vsub.f32 v12, v28;
	v35 =	vmul.f32 $1.442695020e+00, v24;
	v5 =	vsub.f32 v34, v32  }
0x67: {  	v17 =	vadd.f32 v19, v17;
	v15 =	vsub.f32 v30, v15;
	v28 =	vmul.f32 $1.442695020e+00, v31;
	v30 =	vld [tilespmem:s0+$0x30]  }
0x68: {  	v9 =	vmul.f32 v27, v9;
	v10 =	vsub.f32 v18, v10;
	v18 =	vmul.f32 $1.442695020e+00, v5;
	v19 =	vld [tilespmem:s16+$0x20]  }
0x69: {  	v14 =	vadd.f32 v14, v17;
	v15 =	vmul.f32 v15, v15;
	v27 =	vsub.f32 $0.0e+00, v26;
	v31 =	vld [tilespmem:s17+$0x20]  }
0x6a: {  	v10 =	vmul.f32 v10, v10;
	v6 =	vsub.f32 v25, v6;
	v17 =	vld [tilespmem:s0+$0x0];
	(erf) = vpow2.f32 v33;
	v25 =	vpop (erf)  }
0x6b: {  	v26 =	vsub.f32 v8, v26;
	v15 =	vmul.f32 v25, v15;
	v25 =	vld [tilespmem:s0+$0xFFFFFFF0];
	(erf) = vpow2.f32 v16  }
0x6c: {  	v14 =	vadd.f32 v21, v14;
	v16 =	vmul.f32 v6, v6;
	v6 =	vld [tilespmem:s18+$0xFFFFFFF0];
	v8 =	vpop (erf);
	(erf) = vpow2.f32 v22  }
0x6d: {  	v9 =	vsub.f32 v12, v9;
	v22 =	vmul.f32 $1.442695020e+00, v26;
	v21 =	vld [tilespmem:s18+$0x0];
	(erf) = vpow2.f32 v35  }
0x6e: {  	v32 =	vmul.f32 v8, v10;
	v8 =	vadd.f32 v23, v14;
	v33 =	vsub.f32 v19, v31;
	v10 =	vld [tilespmem:s17+$0x30]  }
0x6f: {  	v12 =	vmul.f32 $1.442695020e+00, v27;
	v14 =	vsub.f32 $0.0e+00, v31;
	v19 =	vld [tilespmem:s16+$0x30];
	(erf) = vpow2.f32 v29  }
0x70: {  	v31 =	vadd.f32 v9, v8;
	v23 =	vmul.f32 $1.442695020e+00, v33;
	v27 =	vld [tilespmem:s18+$0x30];
	(erf) = vpow2.f32 v28  }
0x71: {  	v14 =	vmul.f32 $1.442695020e+00, v14;
	v6 =	vsub.f32 v6, v25;
	v9 =	vld [tilespmem:s0+$0x10];
	(erf) = vpow2.f32 v20  }
0x72: {  	v20 =	vmov s14;
	v28 =	vmul.f32 v31, v4;
	s14 =	smov.u32 s21;
	v25 =	vld [tilespmem:s18+$0x10];
	(erf) = vpow2.f32 v12  }
0x73: {  	v4 =	vperm.xlane v3, v20;
	v20 =	vld [tilespmem:s0+$0x20];
	v29 =	vsub.f32 $0.0e+00, v10;
	v8 =	vpop (erf);
	(erf) = vpow2.f32 v22  }
0x74: {  	s16 =	sadd.s32 $0x80, s16;
	v17 =	vsub.f32 v21, v17;
	v11 =	vsub.f32 v11, v8;
	v21 =	vld [tilespmem:s18+$0x20];
	v22 =	vpop (erf);
	(erf) = vpow2.f32 v23  }
0x75: {  	s0 =	sadd.s32 $0x80, s0;
	v2 =	vadd.f32 v28, v2;
	v23 =	vmul.f32 v6, v6;
	v12 =	vsub.f32 v19, v10;
	v8 =	vld [tilespmem:s16+$0x10];
	v19 =	vpop (erf)  }
0x76: {  	v7 =	vsub.f32 v7, v22;
	v22 =	vmul.f32 $1.442695020e+00, v29;
	v6 =	vld [tilespmem:s0+$0xFFFFFFE0];
	v28 =	vpop (erf);
	(erf) = vpow2.f32 v14  }
0x77: {  	s17 =	sadd.s32 $0x80, s17;
	v10 =	vld [tilespmem:s0+$0xFFFFFFC0];
	v25 =	vsub.f32 v25, v9;
	v9 =	vmul.f32 $1.442695020e+00, v12;
	(erf) = vpow2.f32 v18  }
0x78: {  	v14 =	vsub.f32 v27, v30;
	v7 =	vsub.f32 v7, v15;
	v29 =	vld [tilespmem:s17+$0xFFFFFFD0];
	v15 =	vpop (erf);
	(erf) = vpow2.f32 v22  }
0x79: {  	v11 =	vsub.f32 v11, v32;
	v22 =	vld [tilespmem:s16+$0xFFFFFFD0];
	v18 =	vsub.f32 v21, v20;
	v20 =	vpop (erf);
	(erf) = vpow2.f32 v9  }
0x7a: {  	v27 =	vmul.f32 v17, v17;
	v21 =	vsub.f32 v13, v19;
	v9 =	vmul.f32 v14, v14;
	v30 =	vld [tilespmem:s17+$0xFFFFFFC0];
	v13 =	vpop (erf)  }
0x7b: {  	v19 =	vsub.f32 v24, v28;
	v31 =	vld [tilespmem:s16+$0xFFFFFFC0];
	v34 =	vmul.f32 v13, v16;
	v32 =	vmul.f32 v18, v18;
	v24 =	vpop (erf)  }
.Ltmp0:
0x7c: {  	v17 =	vadd.f32 v7, v11;
	v11 =	vmul.f32 v25, v25;
	v14 =	vmul.f32 v20, v27;
	v13 =	vld [tilespmem:s17+$0xFFFFFFE0];
	v25 =	vpop (erf);
	(pc) =	sbr.rel @p0 .LBB2_3-.Ltmp0, $4  }
0x7d: {  	v27 =	vmul.f32 v15, v23;
	v28 =	vsub.f32 $0.0e+00, v29;
	v20 =	vld [tilespmem:s16+$0xFFFFFFE0];
	v18 =	vsub.f32 v21, v34;
	v16 =	vpop (erf)  }
0x7e: {  	v21 =	vsub.f32 v26, v25;
	v15 =	vld [tilespmem:s0+$0xFFFFFFD0];
	v7 =	vsub.f32 v22, v29;
	v22 =	vmul.f32 v24, v11  }
0x7f: {  	v23 =	vsub.f32 v33, v16;
	v29 =	vsub.f32 $0.0e+00, v30;
	v28 =	vmul.f32 $1.442695020e+00, v28;
	v24 =	vld [tilespmem:s17+$0xFFFFFFF0];
	v25 =	vpop (erf)  }
0x80: {  	v11 =	vsub.f32 v31, v30;
	v16 =	vmul.f32 $1.442695020e+00, v7;
	v26 =	vld [tilespmem:s16+$0xFFFFFFF0];
	v25 =	vmul.f32 v25, v32;
	v30 =	vpop (erf)  }
0x81: {  	v31 =	vsub.f32 $0.0e+00, v13  }
0x82: {  	v29 =	vmul.f32 $1.442695020e+00, v29;
	v32 =	vld [tilespmem:s17+$0x0];
	v19 =	vsub.f32 v19, v27;
	v5 =	vsub.f32 v5, v30  }
0x83: {  	v33 =	vld [tilespmem:s16+$0x0];
	(erf) = vpow2.f32 v28;
	v17 =	vadd.f32 v18, v17;
	v21 =	vsub.f32 v21, v22  }
0x84: {  	v39 =	vld [tilespmem:s17+$0x10];
	v62 =	vmul.f32 $1.442695020e+00, v11;
	v13 =	vsub.f32 v20, v13;
	v23 =	vsub.f32 v23, v25  }
0x85: {  	v40 =	vld [tilespmem:s16+$0x20];
	v36 =	vmul.f32 $1.442695020e+00, v31;
	v5 =	vsub.f32 v5, v14;
	v17 =	vadd.f32 v19, v17  }
0x86: {  	v42 =	vld [tilespmem:s17+$0x20];
	(erf) = vpow2.f32 v29;
	v37 =	vsub.f32 $0.0e+00, v24;
	v24 =	vsub.f32 v26, v24  }
0x87: {  	v48 =	vld [tilespmem:s0+$0x0];
	v38 =	vmul.f32 $1.442695020e+00, v13;
	v26 =	vpop (erf);
	(erf) = vpow2.f32 v62;
	v5 =	vadd.f32 v5, v17  }
0x88: {  	v50 =	vld [tilespmem:s0+$0xFFFFFFF0];
	v41 =	vsub.f32 $0.0e+00, v32;
	v43 =	vpop (erf);
	(erf) = vpow2.f32 v16;
	v34 =	vmul.f32 $1.442695020e+00, v24  }
0x89: {  	v54 =	vld [tilespmem:s17+$0x30];
	v18 =	vmul.f32 $1.442695020e+00, v37;
	v32 =	vsub.f32 v33, v32;
	(erf) = vpow2.f32 v38  }
0x8a: {  	s18 =	sadd.s32 $0x80, s18;
	v57 =	vld [tilespmem:s16+$0x30];
	v47 =	vsub.f32 $0.0e+00, v39;
	v46 =	vmul.f32 $1.442695020e+00, v41;
	(erf) = vpow2.f32 v34  }
0x8b: {  	v63 =	vld [tilespmem:s18+$0xFFFFFFD0];
	v8 =	vsub.f32 v8, v39;
	v9 =	vmul.f32 v26, v9;
	(erf) = vpow2.f32 v18  }
0x8c: {  	v44 =	vld [tilespmem:s18+$0xFFFFFFC0];
	v25 =	vsub.f32 v40, v42;
	v22 =	vmul.f32 $1.442695020e+00, v47;
	(erf) = vpow2.f32 v46  }
0x8d: {  	v45 =	vld [tilespmem:s18+$0xFFFFFFE0];
	v14 =	vsub.f32 $0.0e+00, v42;
	v29 =	vmul.f32 $1.442695020e+00, v8;
	(erf) = vpow2.f32 v36  }
0x8e: {  	v52 =	vld [tilespmem:s18+$0x0];
	v37 =	vsub.f32 $0.0e+00, v54;
	v55 =	vmul.f32 $1.442695020e+00, v25;
	v53 =	vpop (erf);
	(erf) = vpow2.f32 v22  }
0x8f: {  	v51 =	vld [tilespmem:s18+$0xFFFFFFF0];
	v39 =	vsub.f32 v57, v54;
	v14 =	vmul.f32 $1.442695020e+00, v14;
	v56 =	vpop (erf);
	(erf) = vpow2.f32 v29  }
0x90: {  	v12 =	vsub.f32 v12, v43;
	v49 =	vmul.f32 $1.442695020e+00, v32;
	v59 =	vpop (erf);
	(erf) = vpow2.f32 v55  }
0x91: {  	v15 =	vsub.f32 v63, v15;
	v10 =	vsub.f32 v44, v10;
	v61 =	vpop (erf);
	(erf) = vpow2.f32 v14  }
0x92: {  	v6 =	vsub.f32 v45, v6;
	v5 =	vadd.f32 v21, v5;
	v63 =	vpop (erf);
	(erf) = vpow2.f32 v49  }
0x93: {  	v58 =	vld [tilespmem:s0+$0x10];
	v20 =	vsub.f32 v52, v48;
	v21 =	vmul.f32 $1.442695020e+00, v37;
	v10 =	vmul.f32 v10, v10;
	v36 =	vpop (erf)  }
0x94: {  	v60 =	vld [tilespmem:s18+$0x10];
	v44 =	vmul.f32 $1.442695020e+00, v39;
	v15 =	vmul.f32 v15, v15;
	v18 =	vsub.f32 v51, v50;
	v40 =	vpop (erf)  }
0x95: {  	v43 =	vld [tilespmem:s18+$0x20];
	v6 =	vmul.f32 v6, v6;
	v10 =	vmul.f32 v56, v10;
	v38 =	vsub.f32 v11, v59;
	v42 =	vpop (erf)  }
0x96: {  	v41 =	vld [tilespmem:s0+$0x20];
	v62 =	vmul.f32 v53, v15;
	v18 =	vmul.f32 v18, v18;
	v7 =	vsub.f32 v7, v61;
	v45 =	vpop (erf)  }
0x97: {  	v48 =	vld [tilespmem:s18+$0x30];
	v10 =	vsub.f32 v38, v10;
	v13 =	vsub.f32 v13, v63;
	(erf) = vpow2.f32 v21;
	v47 =	vpop (erf)  }
0x98: {  	v46 =	vld [tilespmem:s0+$0x30];
	v7 =	vsub.f32 v7, v62;
	(erf) = vpow2.f32 v44;
	v6 =	vmul.f32 v45, v6;
	v49 =	vpop (erf)  }
0x99: {  	v16 =	vsub.f32 v60, v58;
	v19 =	vsub.f32 v24, v36;
	v18 =	vmul.f32 v40, v18;
	v51 =	vpop (erf)  }
0x9a: {  	v50 =	vmul.f32 v20, v20;
	v7 =	vadd.f32 v7, v10;
	v6 =	vsub.f32 v13, v6;
	v52 =	vpop (erf)  }
0x9b: {  	v16 =	vmul.f32 v16, v16;
	v53 =	vsub.f32 v43, v41;
	v18 =	vsub.f32 v19, v18;
	v54 =	vpop (erf)  }
0x9c: {  	v17 =	vmul.f32 v42, v50;
	v6 =	vadd.f32 v6, v7;
	v55 =	vsub.f32 v32, v54  }
0x9d: {  	v56 =	vsub.f32 v48, v46;
	v13 =	vmul.f32 v53, v53;
	v8 =	vsub.f32 v8, v49  }
0x9e: {  	v11 =	vmul.f32 v47, v16;
	v6 =	vadd.f32 v18, v6;
	v57 =	vsub.f32 v55, v17  }
0x9f: {  	v9 =	vsub.f32 v12, v9;
	v58 =	vsub.f32 v25, v51;
	v10 =	vmul.f32 v52, v13  }
0xa0: {  	v7 =	vmul.f32 v56, v56;
	v8 =	vsub.f32 v8, v11;
	v59 =	vpop (erf);
	v6 =	vadd.f32 v57, v6  }
0xa1: {  	v5 =	vadd.f32 v23, v5;
	v10 =	vsub.f32 v58, v10;
	v60 =	vpop (erf)  }
0xa2: {  	v7 =	vmul.f32 v59, v7;
	v11 =	vsub.f32 v39, v60;
	v6 =	vadd.f32 v8, v6  }
0xa3: {  	v5 =	vadd.f32 v9, v5  }
0xa4: {  	s1 =	sadd.s32 $0x1, s1;
	v7 =	vsub.f32 v11, v7;
	v6 =	vadd.f32 v10, v6  }
0xa5: {  	p0 =	sne.s32 s1, $0x4;
	v61 =	vmov s14  }
.Ltmp1:
0xa6: {  	v4 =	vmul.f32 v5, v4;
	v62 =	vperm.xlane v3, v61;
	v6 =	vadd.f32 v7, v6;
	(pc) =	sbr.rel @p0 .LBB2_2-.Ltmp1, $4  }
0xa7: {  	_ = 	snop  }
0xa8: {  	v2 =	vadd.f32 v4, v2;
	v63 =	vmul.f32 v6, v62  }
0xa9: {  	s28 =	sadd.s32 $0x800, s28  }
0xaa: {  	s29 =	sadd.s32 $0x800, s29;
	s30 =	sadd.s32 $0x800, s30;
	s31 =	sadd.s32 $0x800, s31;
	v1 =	vadd.f32 v3, v1;
	v2 =	vadd.f32 v63, v2  }
0xab: {  	_ =	swait.ge [sflag:s24], $0x2000  }
0xac: {  	[sflag:s24] =	ssyncset.done $0x0  }
0xad: {  	[sflag:s24] =	ssyncadd.s32 $0xFFFFE000  }
0xae: {  	_ =	swait.ge [sflag:s24], $0x2000  }
0xaf: {  	[sflag:s24] =	ssyncset.done $0x0  }
0xb0: {  	[sflag:s24] =	ssyncadd.s32 $0xFFFFE000  }
0xb1: {  	_ =	swait.ge [sflag:s24], $0x2000  }
0xb2: {  	[sflag:s24] =	ssyncset.done $0x0  }
0xb3: {  	[sflag:s24] =	ssyncadd.s32 $0xFFFFE000  }
0xb4: {  	s28 =	simm.s32 $0x0;
	s20 =	simm.s32 $0x8040;
	_ =	swait.ge [sflag:s24], $0x2000  }
0xb5: {  	s30 =	simm.s32 $0xA040;
	s31 =	simm.s32 $0xC040;
	[sflag:s24] =	ssyncset.done $0x0  }
0xb6: {  	s1 =	simm.s32 $0xE040;
	s0 =	simm.s32 $0x0;
	[sflag:s24] =	ssyncadd.s32 $0xFFFFE000  }
.LBB2_6:
0xb7: {  	v4 =	vld [tilespmem:s30+$0x10]  }
0xb8: {  	v6 =	vld [tilespmem:s31+$0xFFFFFFE0]  }
0xb9: {  	v7 =	vld [tilespmem:s31+$0xFFFFFFC0]  }
0xba: {  	v5 =	vld [tilespmem:s1+$0xFFFFFFD0]  }
0xbb: {  	v8 =	vld [tilespmem:s30+$0xFFFFFFD0]  }
0xbc: {  	v9 =	vld [tilespmem:s1+$0xFFFFFFC0]  }
0xbd: {  	v10 =	vld [tilespmem:s30+$0xFFFFFFC0]  }
0xbe: {  	v11 =	vld [tilespmem:s1+$0xFFFFFFE0]  }
0xbf: {  	v12 =	vld [tilespmem:s30+$0xFFFFFFE0]  }
0xc0: {  	v14 =	vld [tilespmem:s31+$0xFFFFFFD0]  }
0xc1: {  	v15 =	vld [tilespmem:s1+$0xFFFFFFF0]  }
0xc2: {  	v16 =	vld [tilespmem:s30+$0xFFFFFFF0]  }
0xc3: {  	v18 =	vld [tilespmem:s1+$0x0]  }
0xc4: {  	v24 =	vld [tilespmem:s31+$0x30];
	v13 =	vsub.f32 $0.0e+00, v5  }
0xc5: {  	v29 =	vld [tilespmem:s31+$0x20];
	v17 =	vsub.f32 $0.0e+00, v9  }
0xc6: {  	v19 =	vsub.f32 v8, v5;
	v5 =	vld [tilespmem:s30+$0x0];
	v13 =	vmul.f32 $1.442695020e+00, v13  }
0xc7: {  	v21 =	vsub.f32 $0.0e+00, v15;
	v15 =	vsub.f32 v16, v15;
	v16 =	vld [tilespmem:s20+$0xFFFFFFE0];
	v8 =	vmul.f32 $1.442695020e+00, v17  }
0xc8: {  	v9 =	vsub.f32 v10, v9;
	v20 =	vsub.f32 $0.0e+00, v11;
	v17 =	vld [tilespmem:s20+$0xFFFFFFC0];
	(erf) = vpow2.f32 v13  }
0xc9: {  	v11 =	vsub.f32 v12, v11;
	v10 =	vmul.f32 $1.442695020e+00, v19;
	v13 =	vld [tilespmem:s20+$0xFFFFFFD0];
	(erf) = vpow2.f32 v8  }
0xca: {  	s14 =	sshll.u32 s0, $0x4;
	v31 =	vld [tilespmem:s20+$0x20];
	v12 =	vmul.f32 $1.442695020e+00, v9;
	v20 =	vmul.f32 $1.442695020e+00, v20  }
0xcb: {  	v3 =	vld [tilespmem:s14+$0x10040];
	v23 =	vsub.f32 $0.0e+00, v18;
	v22 =	vmul.f32 $1.442695020e+00, v11;
	v21 =	vmul.f32 $1.442695020e+00, v21  }
0xcc: {  	v25 =	vmul.f32 $1.442695020e+00, v15;
	v8 =	vld [tilespmem:s1+$0x10];
	v5 =	vsub.f32 v5, v18;
	(erf) = vpow2.f32 v12  }
0xcd: {  	v6 =	vsub.f32 v16, v6;
	v16 =	vld [tilespmem:s31+$0xFFFFFFF0];
	v7 =	vsub.f32 v17, v7;
	(erf) = vpow2.f32 v10  }
0xce: {  	v18 =	vmul.f32 $1.442695020e+00, v23;
	v17 =	vld [tilespmem:s1+$0x20];
	(erf) = vpow2.f32 v22;
	v13 =	vsub.f32 v13, v14  }
0xcf: {  	v14 =	vld [tilespmem:s30+$0x20];
	v7 =	vmul.f32 v7, v7;
	(erf) = vpow2.f32 v25  }
0xd0: {  	vm0 =	veq.s32 v3, $0x4;
	v22 =	vld [tilespmem:s31+$0x10];
	(erf) = vpow2.f32 v21;
	v13 =	vmul.f32 v13, v13  }
0xd1: {  	v28 =	vsub.f32 v4, v8;
	v4 =	vld [tilespmem:s20+$0xFFFFFFF0];
	v3 =	vsub.f32 $0.0e+00, v8;
	(erf) = vpow2.f32 v18;
	v12 =	vpop (erf)  }
0xd2: {  	v29 =	vsub.f32 v31, v29;
	(erf) = vpow2.f32 v20;
	v20 =	vld [tilespmem:s20+$0x10];
	v13 =	vmul.f32 v12, v13;
	v8 =	vpop (erf)  }
0xd3: {  	v12 =	vld [tilespmem:s1+$0x30];
	v7 =	vmul.f32 v8, v7;
	v8 =	vmul.f32 $1.442695020e+00, v3  }
0xd4: {  	v33 =	vmul.f32 v29, v29;
	v10 =	vmul.f32 $1.442695020e+00, v28;
	v25 =	vsub.f32 v14, v17;
	v14 =	vld [tilespmem:s30+$0x30]  }
0xd5: {  	v23 =	vld [tilespmem:s31+$0x0];
	v26 =	vmul.f32 $1.442695020e+00, v5;
	v27 =	vmul.f32 v6, v6;
	v17 =	vsub.f32 $0.0e+00, v17  }
0xd6: {  	v21 =	vld [tilespmem:s20+$0x30];
	v3 =	vsel vm0, $0x0, v0;
	v16 =	vsub.f32 v4, v16;
	v18 =	vmul.f32 $1.442695020e+00, v25  }
0xd7: {  	v6 =	vld [tilespmem:s20+$0x0];
	v4 =	vmov s28;
	v17 =	vmul.f32 $1.442695020e+00, v17;
	(erf) = vpow2.f32 v8;
	v8 =	vpop (erf)  }
0xd8: {  	s17 =	sadd.s32 $0x80, s30;
	v20 =	vsub.f32 v20, v22;
	v30 =	vsub.f32 $0.0e+00, v12;
	(erf) = vpow2.f32 v10;
	v10 =	vpop (erf)  }
0xd9: {  	s18 =	sadd.s32 $0x80, s1;
	v32 =	vld [tilespmem:s17+$0xFFFFFFC0];
	v12 =	vsub.f32 v14, v12;
	(erf) = vpow2.f32 v18;
	v18 =	vsub.f32 v19, v10  }
0xda: {  	v31 =	vld [tilespmem:s18+$0xFFFFFFC0];
	v9 =	vsub.f32 v9, v8;
	v14 =	vpop (erf);
	v19 =	vmul.f32 $1.442695020e+00, v30;
	(erf) = vpow2.f32 v17  }
0xdb: {  	v17 =	vpop (erf);
	(erf) = vpow2.f32 v26;
	v26 =	vld [tilespmem:s18+$0xFFFFFFD0];
	v18 =	vsub.f32 v18, v13;
	v13 =	vsub.f32 v21, v24  }
0xdc: {  	s14 =	sadd.s32 $0x80, s31;
	v23 =	vsub.f32 v6, v23;
	v4 =	vperm.xlane v3, v4;
	v22 =	vmul.f32 $1.442695020e+00, v12;
	v24 =	vld [tilespmem:s17+$0xFFFFFFD0]  }
0xdd: {  	v6 =	vld [tilespmem:s14+$0xFFFFFFE0];
	v29 =	vmul.f32 v20, v20;
	v7 =	vsub.f32 v9, v7;
	v21 =	vpop (erf);
	(erf) = vpow2.f32 v19  }
0xde: {  	v20 =	vld [tilespmem:s17+$0xFFFFFFE0];
	v11 =	vsub.f32 v11, v14;
	v14 =	vmul.f32 v23, v23;
	v30 =	vpop (erf);
	(erf) = vpow2.f32 v22  }
0xdf: {  	v16 =	vmul.f32 v16, v16;
	v8 =	vld [tilespmem:s17+$0x10];
	v19 =	vsub.f32 v15, v17;
	v9 =	vmul.f32 v13, v13;
	v13 =	vpop (erf)  }
0xe0: {  	v10 =	vld [tilespmem:s14+$0xFFFFFFC0];
	v17 =	vadd.f32 v18, v7;
	v14 =	vmul.f32 v30, v14;
	v22 =	vmul.f32 v13, v27;
	v23 =	vpop (erf)  }
0xe1: {  	v34 =	vsub.f32 $0.0e+00, v26;
	v13 =	vld [tilespmem:s18+$0xFFFFFFE0];
	v27 =	vmul.f32 v21, v16;
	v7 =	vsub.f32 v24, v26;
	v30 =	vpop (erf)  }
0xe2: {  	v15 =	vld [tilespmem:s14+$0xFFFFFFD0];
	v18 =	vsub.f32 v11, v22;
	v11 =	vpop (erf);
	v21 =	vsub.f32 v28, v30;
	v22 =	vmul.f32 v23, v29  }
0xe3: {  	v24 =	vld [tilespmem:s18+$0xFFFFFFF0];
	v29 =	vsub.f32 $0.0e+00, v31;
	v28 =	vmul.f32 $1.442695020e+00, v34;
	v23 =	vsub.f32 v25, v11;
	v25 =	vpop (erf)  }
0xe4: {  	s16 =	simm.s32 $0x1;
	s21 =	simm.s32 $0x2;
	s29 =	smov.u32 s20;
	v26 =	vld [tilespmem:s17+$0xFFFFFFF0];
	v16 =	vmul.f32 $1.442695020e+00, v7;
	v11 =	vsub.f32 v32, v31;
	v25 =	vmul.f32 v25, v33;
	v30 =	vpop (erf)  }
.LBB2_7:
0xe5: {  	p0 =	sne.s32 s21, $0xF  }
0xe6: {  	v29 =	vmul.f32 $1.442695020e+00, v29;
	v31 =	vsub.f32 $0.0e+00, v13;
	v32 =	vld [tilespmem:s18+$0x0];
	v19 =	vsub.f32 v19, v27;
	s29 =	sadd.s32 $0x80, s29;
	v27 =	vpop (erf);
	s22 =	smov.u32 s21;
	s21 =	sadd.s32 $0x1, s21  }
0xe7: {  	v5 =	vsub.f32 v5, v30;
	v33 =	vmul.f32 $1.442695020e+00, v11;
	v34 =	vld [tilespmem:s17+$0x0];
	(erf) = vpow2.f32 v28;
	v28 =	vpop (erf)  }
0xe8: {  	v17 =	vadd.f32 v18, v17;
	v13 =	vsub.f32 v20, v13;
	v30 =	vld [tilespmem:s29+$0xFFFFFFD0];
	v20 =	vmul.f32 $1.442695020e+00, v31  }
0xe9: {  	v21 =	vsub.f32 v21, v22;
	v18 =	vld [tilespmem:s29+$0xFFFFFFC0];
	v31 =	vsub.f32 $0.0e+00, v24;
	(erf) = vpow2.f32 v29  }
0xea: {  	v23 =	vsub.f32 v23, v25;
	v22 =	vmul.f32 $1.442695020e+00, v13;
	v24 =	vsub.f32 v26, v24;
	v26 =	vld [tilespmem:s18+$0x10]  }
0xeb: {  	v14 =	vsub.f32 v5, v14;
	v25 =	vld [tilespmem:s29+$0xFFFFFFE0];
	v29 =	vmul.f32 $1.442695020e+00, v31;
	v31 =	vsub.f32 $0.0e+00, v32  }
0xec: {  	v12 =	vsub.f32 v12, v28;
	v35 =	vmul.f32 $1.442695020e+00, v24;
	v5 =	vsub.f32 v34, v32  }
0xed: {  	v17 =	vadd.f32 v19, v17;
	v15 =	vsub.f32 v30, v15;
	v28 =	vmul.f32 $1.442695020e+00, v31;
	v30 =	vld [tilespmem:s14+$0x30]  }
0xee: {  	v9 =	vmul.f32 v27, v9;
	v10 =	vsub.f32 v18, v10;
	v18 =	vmul.f32 $1.442695020e+00, v5;
	v19 =	vld [tilespmem:s17+$0x20]  }
0xef: {  	v14 =	vadd.f32 v14, v17;
	v15 =	vmul.f32 v15, v15;
	v27 =	vsub.f32 $0.0e+00, v26;
	v31 =	vld [tilespmem:s18+$0x20]  }
0xf0: {  	v10 =	vmul.f32 v10, v10;
	v6 =	vsub.f32 v25, v6;
	v17 =	vld [tilespmem:s14+$0x0];
	(erf) = vpow2.f32 v33;
	v25 =	vpop (erf)  }
0xf1: {  	v26 =	vsub.f32 v8, v26;
	v15 =	vmul.f32 v25, v15;
	v25 =	vld [tilespmem:s14+$0xFFFFFFF0];
	(erf) = vpow2.f32 v16  }
0xf2: {  	v14 =	vadd.f32 v21, v14;
	v16 =	vmul.f32 v6, v6;
	v6 =	vld [tilespmem:s29+$0xFFFFFFF0];
	v8 =	vpop (erf);
	(erf) = vpow2.f32 v22  }
0xf3: {  	v9 =	vsub.f32 v12, v9;
	v22 =	vmul.f32 $1.442695020e+00, v26;
	v21 =	vld [tilespmem:s29+$0x0];
	(erf) = vpow2.f32 v35  }
0xf4: {  	v32 =	vmul.f32 v8, v10;
	v8 =	vadd.f32 v23, v14;
	v33 =	vsub.f32 v19, v31;
	v10 =	vld [tilespmem:s18+$0x30]  }
0xf5: {  	v12 =	vmul.f32 $1.442695020e+00, v27;
	v14 =	vsub.f32 $0.0e+00, v31;
	v19 =	vld [tilespmem:s17+$0x30];
	(erf) = vpow2.f32 v29  }
0xf6: {  	v31 =	vadd.f32 v9, v8;
	v23 =	vmul.f32 $1.442695020e+00, v33;
	v27 =	vld [tilespmem:s29+$0x30];
	(erf) = vpow2.f32 v28  }
0xf7: {  	v14 =	vmul.f32 $1.442695020e+00, v14;
	v6 =	vsub.f32 v6, v25;
	v9 =	vld [tilespmem:s14+$0x10];
	(erf) = vpow2.f32 v20  }
0xf8: {  	v20 =	vmov s16;
	v28 =	vmul.f32 v31, v4;
	s16 =	smov.u32 s22;
	v25 =	vld [tilespmem:s29+$0x10];
	(erf) = vpow2.f32 v12  }
0xf9: {  	v4 =	vperm.xlane v3, v20;
	v20 =	vld [tilespmem:s14+$0x20];
	v29 =	vsub.f32 $0.0e+00, v10;
	v8 =	vpop (erf);
	(erf) = vpow2.f32 v22  }
0xfa: {  	s17 =	sadd.s32 $0x80, s17;
	v17 =	vsub.f32 v21, v17;
	v11 =	vsub.f32 v11, v8;
	v21 =	vld [tilespmem:s29+$0x20];
	v22 =	vpop (erf);
	(erf) = vpow2.f32 v23  }
0xfb: {  	s14 =	sadd.s32 $0x80, s14;
	v2 =	vadd.f32 v28, v2;
	v23 =	vmul.f32 v6, v6;
	v12 =	vsub.f32 v19, v10;
	v8 =	vld [tilespmem:s17+$0x10];
	v19 =	vpop (erf)  }
0xfc: {  	v7 =	vsub.f32 v7, v22;
	v22 =	vmul.f32 $1.442695020e+00, v29;
	v6 =	vld [tilespmem:s14+$0xFFFFFFE0];
	v28 =	vpop (erf);
	(erf) = vpow2.f32 v14  }
0xfd: {  	s18 =	sadd.s32 $0x80, s18;
	v10 =	vld [tilespmem:s14+$0xFFFFFFC0];
	v25 =	vsub.f32 v25, v9;
	v9 =	vmul.f32 $1.442695020e+00, v12;
	(erf) = vpow2.f32 v18  }
0xfe: {  	v14 =	vsub.f32 v27, v30;
	v7 =	vsub.f32 v7, v15;
	v29 =	vld [tilespmem:s18+$0xFFFFFFD0];
	v15 =	vpop (erf);
	(erf) = vpow2.f32 v22  }
0xff: {  	v11 =	vsub.f32 v11, v32;
	v22 =	vld [tilespmem:s17+$0xFFFFFFD0];
	v18 =	vsub.f32 v21, v20;
	v20 =	vpop (erf);
	(erf) = vpow2.f32 v9  }
0x100: {  	v27 =	vmul.f32 v17, v17;
	v21 =	vsub.f32 v13, v19;
	v9 =	vmul.f32 v14, v14;
	v30 =	vld [tilespmem:s18+$0xFFFFFFC0];
	v13 =	vpop (erf)  }
0x101: {  	v19 =	vsub.f32 v24, v28;
	v31 =	vld [tilespmem:s17+$0xFFFFFFC0];
	v34 =	vmul.f32 v13, v16;
	v32 =	vmul.f32 v18, v18;
	v24 =	vpop (erf)  }
.Ltmp2:
0x102: {  	v17 =	vadd.f32 v7, v11;
	v11 =	vmul.f32 v25, v25;
	v14 =	vmul.f32 v20, v27;
	v13 =	vld [tilespmem:s18+$0xFFFFFFE0];
	v25 =	vpop (erf);
	(pc) =	sbr.rel @p0 .LBB2_7-.Ltmp2, $4  }
0x103: {  	v27 =	vmul.f32 v15, v23;
	v28 =	vsub.f32 $0.0e+00, v29;
	v20 =	vld [tilespmem:s17+$0xFFFFFFE0];
	v18 =	vsub.f32 v21, v34;
	v16 =	vpop (erf)  }
0x104: {  	v21 =	vsub.f32 v26, v25;
	v15 =	vld [tilespmem:s14+$0xFFFFFFD0];
	v7 =	vsub.f32 v22, v29;
	v22 =	vmul.f32 v24, v11  }
0x105: {  	v23 =	vsub.f32 v33, v16;
	v29 =	vsub.f32 $0.0e+00, v30;
	v28 =	vmul.f32 $1.442695020e+00, v28;
	v24 =	vld [tilespmem:s18+$0xFFFFFFF0];
	v25 =	vpop (erf)  }
0x106: {  	v11 =	vsub.f32 v31, v30;
	v16 =	vmul.f32 $1.442695020e+00, v7;
	v26 =	vld [tilespmem:s17+$0xFFFFFFF0];
	v25 =	vmul.f32 v25, v32;
	v30 =	vpop (erf)  }
0x107: {  	v31 =	vsub.f32 $0.0e+00, v13  }
0x108: {  	v29 =	vmul.f32 $1.442695020e+00, v29;
	v32 =	vld [tilespmem:s18+$0x0];
	v19 =	vsub.f32 v19, v27;
	v5 =	vsub.f32 v5, v30  }
0x109: {  	v33 =	vld [tilespmem:s17+$0x0];
	(erf) = vpow2.f32 v28;
	v17 =	vadd.f32 v18, v17;
	v21 =	vsub.f32 v21, v22  }
0x10a: {  	v39 =	vld [tilespmem:s18+$0x10];
	v62 =	vmul.f32 $1.442695020e+00, v11;
	v13 =	vsub.f32 v20, v13;
	v23 =	vsub.f32 v23, v25  }
0x10b: {  	v40 =	vld [tilespmem:s17+$0x20];
	v36 =	vmul.f32 $1.442695020e+00, v31;
	v5 =	vsub.f32 v5, v14;
	v17 =	vadd.f32 v19, v17  }
0x10c: {  	v42 =	vld [tilespmem:s18+$0x20];
	(erf) = vpow2.f32 v29;
	v37 =	vsub.f32 $0.0e+00, v24;
	v24 =	vsub.f32 v26, v24  }
0x10d: {  	v48 =	vld [tilespmem:s14+$0x0];
	v38 =	vmul.f32 $1.442695020e+00, v13;
	v26 =	vpop (erf);
	(erf) = vpow2.f32 v62;
	v5 =	vadd.f32 v5, v17  }
0x10e: {  	v50 =	vld [tilespmem:s14+$0xFFFFFFF0];
	v41 =	vsub.f32 $0.0e+00, v32;
	v43 =	vpop (erf);
	(erf) = vpow2.f32 v16;
	v34 =	vmul.f32 $1.442695020e+00, v24  }
0x10f: {  	v54 =	vld [tilespmem:s18+$0x30];
	v18 =	vmul.f32 $1.442695020e+00, v37;
	v32 =	vsub.f32 v33, v32;
	(erf) = vpow2.f32 v38  }
0x110: {  	s21 =	sadd.s32 $0x80, s29;
	v57 =	vld [tilespmem:s17+$0x30];
	v47 =	vsub.f32 $0.0e+00, v39;
	v46 =	vmul.f32 $1.442695020e+00, v41;
	(erf) = vpow2.f32 v34  }
0x111: {  	v63 =	vld [tilespmem:s21+$0xFFFFFFD0];
	v8 =	vsub.f32 v8, v39;
	v9 =	vmul.f32 v26, v9;
	(erf) = vpow2.f32 v18  }
0x112: {  	v44 =	vld [tilespmem:s21+$0xFFFFFFC0];
	v25 =	vsub.f32 v40, v42;
	v22 =	vmul.f32 $1.442695020e+00, v47;
	(erf) = vpow2.f32 v46  }
0x113: {  	v45 =	vld [tilespmem:s21+$0xFFFFFFE0];
	v14 =	vsub.f32 $0.0e+00, v42;
	v29 =	vmul.f32 $1.442695020e+00, v8;
	(erf) = vpow2.f32 v36  }
0x114: {  	v52 =	vld [tilespmem:s21+$0x0];
	v37 =	vsub.f32 $0.0e+00, v54;
	v55 =	vmul.f32 $1.442695020e+00, v25;
	v53 =	vpop (erf);
	(erf) = vpow2.f32 v22  }
0x115: {  	v51 =	vld [tilespmem:s21+$0xFFFFFFF0];
	v39 =	vsub.f32 v57, v54;
	v14 =	vmul.f32 $1.442695020e+00, v14;
	v56 =	vpop (erf);
	(erf) = vpow2.f32 v29  }
0x116: {  	v12 =	vsub.f32 v12, v43;
	v49 =	vmul.f32 $1.442695020e+00, v32;
	v59 =	vpop (erf);
	(erf) = vpow2.f32 v55  }
0x117: {  	v15 =	vsub.f32 v63, v15;
	v10 =	vsub.f32 v44, v10;
	v61 =	vpop (erf);
	(erf) = vpow2.f32 v14  }
0x118: {  	v6 =	vsub.f32 v45, v6;
	v5 =	vadd.f32 v21, v5;
	v63 =	vpop (erf);
	(erf) = vpow2.f32 v49  }
0x119: {  	v58 =	vld [tilespmem:s14+$0x10];
	v20 =	vsub.f32 v52, v48;
	v21 =	vmul.f32 $1.442695020e+00, v37;
	v10 =	vmul.f32 v10, v10;
	v36 =	vpop (erf)  }
0x11a: {  	v60 =	vld [tilespmem:s21+$0x10];
	v44 =	vmul.f32 $1.442695020e+00, v39;
	v15 =	vmul.f32 v15, v15;
	v18 =	vsub.f32 v51, v50;
	v40 =	vpop (erf)  }
0x11b: {  	v43 =	vld [tilespmem:s21+$0x20];
	v6 =	vmul.f32 v6, v6;
	v10 =	vmul.f32 v56, v10;
	v38 =	vsub.f32 v11, v59;
	v42 =	vpop (erf)  }
0x11c: {  	v41 =	vld [tilespmem:s14+$0x20];
	v62 =	vmul.f32 v53, v15;
	v18 =	vmul.f32 v18, v18;
	v7 =	vsub.f32 v7, v61;
	v45 =	vpop (erf)  }
0x11d: {  	v48 =	vld [tilespmem:s21+$0x30];
	v10 =	vsub.f32 v38, v10;
	v13 =	vsub.f32 v13, v63;
	(erf) = vpow2.f32 v21;
	v47 =	vpop (erf)  }
0x11e: {  	v46 =	vld [tilespmem:s14+$0x30];
	v7 =	vsub.f32 v7, v62;
	(erf) = vpow2.f32 v44;
	v6 =	vmul.f32 v45, v6;
	v49 =	vpop (erf)  }
0x11f: {  	v16 =	vsub.f32 v60, v58;
	v19 =	vsub.f32 v24, v36;
	v18 =	vmul.f32 v40, v18;
	v51 =	vpop (erf)  }
0x120: {  	v50 =	vmul.f32 v20, v20;
	v7 =	vadd.f32 v7, v10;
	v6 =	vsub.f32 v13, v6;
	v52 =	vpop (erf)  }
0x121: {  	v16 =	vmul.f32 v16, v16;
	v53 =	vsub.f32 v43, v41;
	v18 =	vsub.f32 v19, v18;
	v54 =	vpop (erf)  }
0x122: {  	v17 =	vmul.f32 v42, v50;
	v6 =	vadd.f32 v6, v7;
	v55 =	vsub.f32 v32, v54  }
0x123: {  	v56 =	vsub.f32 v48, v46;
	v13 =	vmul.f32 v53, v53;
	v8 =	vsub.f32 v8, v49  }
0x124: {  	v11 =	vmul.f32 v47, v16;
	v6 =	vadd.f32 v18, v6;
	v57 =	vsub.f32 v55, v17  }
0x125: {  	v9 =	vsub.f32 v12, v9;
	v58 =	vsub.f32 v25, v51;
	v10 =	vmul.f32 v52, v13  }
0x126: {  	v7 =	vmul.f32 v56, v56;
	v8 =	vsub.f32 v8, v11;
	v59 =	vpop (erf);
	v6 =	vadd.f32 v57, v6  }
0x127: {  	v5 =	vadd.f32 v23, v5;
	v10 =	vsub.f32 v58, v10;
	v60 =	vpop (erf)  }
0x128: {  	v7 =	vmul.f32 v59, v7;
	v11 =	vsub.f32 v39, v60;
	v6 =	vadd.f32 v8, v6  }
0x129: {  	v5 =	vadd.f32 v9, v5  }
0x12a: {  	s0 =	sadd.s32 $0x1, s0;
	v7 =	vsub.f32 v11, v7;
	v6 =	vadd.f32 v10, v6  }
0x12b: {  	p0 =	sne.s32 s0, $0x4;
	v61 =	vmov s16  }
.Ltmp3:
0x12c: {  	v4 =	vmul.f32 v5, v4;
	v62 =	vperm.xlane v3, v61;
	v6 =	vadd.f32 v7, v6;
	(pc) =	sbr.rel @p0 .LBB2_6-.Ltmp3, $4  }
0x12d: {  	_ = 	snop  }
0x12e: {  	v2 =	vadd.f32 v4, v2;
	v63 =	vmul.f32 v6, v62  }
0x12f: {  	s20 =	sadd.s32 $0x800, s20  }
0x130: {  	s30 =	sadd.s32 $0x800, s30;
	s31 =	sadd.s32 $0x800, s31;
	s1 =	sadd.s32 $0x800, s1;
	v1 =	vadd.f32 v3, v1;
	v2 =	vadd.f32 v63, v2  }
0x131: {  	s26 =	sadd.s32 $0x1, s26  }
0x132: {  	[tilespmem:$0x10080] =	vst v2;
	p0 =	sne.s32 s26, s13  }
.Ltmp4:
0x133: {  	[tilespmem:$0x10090] =	vst v1;
	(pc) =	sbr.rel @p0 .LBB2_1-.Ltmp4, $4  }
0x134: {  	[hbm4b:s12+s2] =	stream.linear.scatter [tilespmem:s25], [sflag:$0x3], $0x80, $0x38;
	[tilespmem:$0x10100] =	vst v63  }
0x135: {  	_ =	swait.ge [sflag:s15], $0x80  }
0x136: {  	[sflag:s15] =	ssyncset.done $0x0  }
0x137: {  	[sflag:s15] =	ssyncadd.s32 $0xFFFFFF80  }
0x138: {  	_ =	sfence.sel $0x180000  }
0x139: {  	[bflag:$0x0] =	sbarrier.arrive $0xFFFF  }
0x13a: {  	_ =	strace $0x90000047  }
0x13b: {  	s0 =	stileid.u32;
	[bflag:$0x2] =	sbarrier.arrive $0xFFFF  }
0x13c: {  	p0 =	sne.s32 s0, $0x0;
	s0 =	rddreg [dreg:$0x6]  }
0x13d: {  	s0 =	sadd.s32 @!p0 $0x100000, s0  }
0x13e: {  	[sflag:s0] =	ssyncadd.tile.s32 @!p0 $0x1;
	_ =	shalt  }
.Lfunc_end2:
_tile_overlayer_lowered:
.L_overlay_start_2:
0x13f: {  	(tag) =	ssettag $0x2  }
0x140: {  	s0 =	rddreg [dreg:$0x0];
	s2 =	stileid.u32  }
0x141: {  	s1 =	rddreg [dreg:$0x1];
	p0 =	sne.s32 s2, $0x0  }
0x142: {  	s3 =	rddreg [dreg:$0x2];
	[bflag:$0x3] =	sbarrier.arrive $0xFFFF;
	s2 =	simm.s32 @!p0 $0x1C03  }
0x143: {  	[timem:s3], [sflag:s2] =	dma.local @!p0 [hbm:s0], s1  }
0x144: {  	s0 =	simm.s32 @!p0 $0x3  }
0x145: {  	_ =	swait.ge @!p0 [sflag:s0], s1  }
0x146: {  	s1 =	ssub.s32 @!p0 $0x0, s1;
	[sflag:s0] =	ssyncset.done @!p0 $0x0  }
0x147: {  	[sflag:s0] =	ssyncadd.s32 @!p0 s1  }
0x148: {  	[bflag:$0x3] =	sbarrier.arrive $0xFFFF  }
0x149: {  	_ =	shalt  }

</sc_bundles>
